<compile_context>
chip_gen: v7x
topology: tpu7x:2x2x1
jax: 0.10.2.dev20260603
libtpu: 0.0.44.dev20260713+nightly
codegen_flags: <defaults>
</compile_context>

<pallas_src>
import functools

import jax
import jax.numpy as jnp
from jax import lax
from jax.experimental import pallas as pl
from jax.experimental.pallas import tpu as pltpu
from jax.experimental.pallas import tpu_sc as plsc

N_OUT = 64
LANES = 16
N_SUB = 16
BATCH_BLOCK = 2048


def _build_w_sc(src, dst, w, zeros_tab, n_in, n_rec):
    E = src.shape[0]
    w_size = n_in * N_OUT
    w_pad = w_size + 128
    base = n_rec - N_OUT
    ept = E // N_SUB
    n_chunks = ept // LANES
    n_rows = ept // 128
    z_len = w_size // N_SUB
    o_len = w_size // N_SUB

    mesh = plsc.VectorSubcoreMesh(core_axis_name="c", subcore_axis_name="s",
                                  num_cores=1)

    @functools.partial(
        pl.kernel,
        mesh=mesh,
        out_type=jax.ShapeDtypeStruct((w_size,), jnp.float32),
        compiler_params=pltpu.CompilerParams(needs_layout_passes=False),
        scratch_types=[
            pltpu.VMEM((ept,), jnp.int32),
            pltpu.VMEM((ept,), jnp.int32),
            pltpu.VMEM((ept,), jnp.float32),
            pltpu.VMEM((n_rows, 128), jnp.int32),
            pltpu.VMEM((n_rows, 128), jnp.float32),
            pltpu.VMEM_SHARED((w_pad,), jnp.float32),
            pltpu.SemaphoreType.DMA,
            pltpu.SemaphoreType.DMA,
            pltpu.SemaphoreType.DMA,
        ],
    )
    def build_w(src_hbm, dst_hbm, w_hbm, zeros_hbm, out_hbm,
                src_v, dst_v, w_v, idx_v, val_v, w_sh,
                sem_in, sem_z, sem_a):
        cid = lax.axis_index("c")
        sid = lax.axis_index("s")

        @pl.when(cid == 0)
        def _():
            base_e = sid * ept

            cp_s = pltpu.async_copy(src_hbm.at[pl.ds(base_e, ept)], src_v,
                                    sem_in)
            cp_d = pltpu.async_copy(dst_hbm.at[pl.ds(base_e, ept)], dst_v,
                                    sem_in)
            cp_w = pltpu.async_copy(w_hbm.at[pl.ds(base_e, ept)], w_v,
                                    sem_in)
            cp_z = pltpu.async_copy(zeros_hbm.at[pl.ds(sid * z_len, z_len)],
                                    w_sh.at[pl.ds(sid * z_len, z_len)],
                                    sem_z)
            cp_s.wait()
            cp_d.wait()
            cp_w.wait()

            for c in range(n_chunks):
                sl = pl.ds(c * LANES, LANES)
                s16 = src_v[sl]
                d16 = dst_v[sl]
                w16 = w_v[sl]
                m = (s16 < n_in) & (d16 >= base)
                lane0 = (c % 8) * LANES
                dump = w_size + lane0 + lax.iota(jnp.int32, 16)
                idx = jnp.where(m, s16 * N_OUT + (d16 - base), dump)
                val = jnp.where(m, w16, 0.0)
                out_sl = pl.ds(lane0, LANES)
                idx_v[c // 8, out_sl] = idx
                val_v[c // 8, out_sl] = val

            cp_z.wait()
            plsc.subcore_barrier()

            adds = [
                pltpu.async_copy(val_v.at[j], w_sh.at[idx_v.at[j]], sem_a,
                                 add=True)
                for j in range(n_rows)
            ]
            for cp in adds:
                cp.wait()

            plsc.subcore_barrier()

            pltpu.sync_copy(w_sh.at[pl.ds(sid * o_len, o_len)],
                            out_hbm.at[pl.ds(sid * o_len, o_len)])

    return build_w(src, dst, w, zeros_tab)


def _matmul_tc(obs, w_table, bias):
    batch, n_in = obs.shape
    n_rec = bias.shape[0]
    base = n_rec - N_OUT
    n_blocks = batch // BATCH_BLOCK

    def body(obs_ref, w_ref, b_ref, out_ref):
        acc = jnp.dot(obs_ref[...], w_ref[...],
                      preferred_element_type=jnp.float32)
        b = b_ref[0, base:base + N_OUT]
        out_ref[...] = jnp.tanh(acc + b[None, :])

    return pl.pallas_call(
        body,
        grid=(n_blocks,),
        in_specs=[
            pl.BlockSpec((BATCH_BLOCK, n_in), lambda i: (i, 0)),
            pl.BlockSpec((n_in, N_OUT), lambda i: (0, 0)),
            pl.BlockSpec((1, n_rec), lambda i: (0, 0)),
        ],
        out_specs=pl.BlockSpec((BATCH_BLOCK, N_OUT), lambda i: (i, 0)),
        out_shape=jax.ShapeDtypeStruct((batch, N_OUT), jnp.float32),
    )(obs, w_table, bias.reshape(1, n_rec))


def kernel(obs, src, dst, w, bias):
    n_in = obs.shape[1]
    n_rec = bias.shape[0]
    src = src.astype(jnp.int32)
    dst = dst.astype(jnp.int32)
    zeros_tab = jnp.zeros((n_in * N_OUT,), jnp.float32)
    w_flat = _build_w_sc(src, dst, w, zeros_tab, n_in, n_rec)
    return _matmul_tc(obs, w_flat.reshape(n_in, N_OUT), bias)

# --- scband reference (transcript-rebuilt; emitter-appended) ---
"""Pipeline reference for scband-torch-recurrent-policy-73521250173176 (READ-ONLY COPY).

The authoritative reference and input builder live on the scoring server;
editing this copy changes nothing except your own understanding.
"""

import jax, jax.numpy as jnp
import numpy as np

B, N_IN, N_REC, E, N_OUT = 4096, 256, 512, 8192, 64

def setup_inputs(seed: int = 0) -> dict:
    key = jax.random.key(seed)
    k1, k2, k3, k4, k5 = jax.random.split(key, 5)
    obs = jax.random.normal(k1, (B, N_IN), dtype=jnp.float32)
    src = jax.random.randint(k2, (E,), 0, N_IN + N_REC)
    dst = jnp.sort(jax.random.randint(k3, (E,), 0, N_REC))
    w = jax.random.normal(k4, (E,), dtype=jnp.float32) * 0.1
    bias = jax.random.normal(k5, (N_REC,), dtype=jnp.float32) * 0.1
    return {"obs": obs, "src": src, "dst": dst, "w": w, "bias": bias}

def reference(obs, src, dst, w, bias):
    # TorchRecurrentPolicy.forward after reset_recurrent_state():
    # - input node activations come from the current obs columns
    # - every non-input source reads the PREVIOUS state snapshot (zeros after reset),
    #   so all recurrent nodes are mutually independent within a step -> vectorizable.
    batch = obs.shape[0]
    n_rec = bias.shape[0]
    prev_state = jnp.zeros((n_rec, batch), dtype=obs.dtype)  # reset state, expanded over batch
    # activation table for all possible sources: inputs (keys [0, N_IN)) then prev recurrent state
    all_act = jnp.concatenate([obs.T, prev_state], axis=0)  # [N_IN + n_rec, batch]
    # per-connection term: source * weight  (gather)
    gathered = jnp.take(all_act, src, axis=0) * w[:, None]  # [E, batch]
    # sum of incoming terms per destination node (scatter-add / segment sum)
    summed = jax.ops.segment_sum(gathered, dst, num_segments=n_rec)  # [n_rec, batch]
    pre_activation = summed + bias[:, None]
    act = jnp.tanh(pre_activation)
    # output_keys = last N_OUT recurrent nodes; torch stacks them along dim=1
    out_idx = jnp.arange(n_rec - N_OUT, n_rec)
    outputs = jnp.take(act, out_idx, axis=0).T  # [batch, N_OUT]
    return outputs

if __name__ == "__main__":
    import jax
    _d = setup_inputs()
    print(jax.jit(kernel)(*tuple(_d.values())))

</pallas_src>

<mosaic_0001>
#map = affine_map<(d0, d1) -> (0)>
module attributes {stable_mosaic.version = 14 : i64} {
  func.func @build_w(%arg0: i32, %arg1: i32, %arg2: memref<8192xi32, #tpu.memory_space<hbm>>, %arg3: memref<8192xi32, #tpu.memory_space<hbm>>, %arg4: memref<8192xf32, #tpu.memory_space<hbm>>, %arg5: memref<16384xf32, #tpu.memory_space<hbm>>, %arg6: memref<16384xf32, #tpu.memory_space<hbm>>, %arg7: memref<512xi32, #tpu.memory_space<vmem>>, %arg8: memref<512xi32, #tpu.memory_space<vmem>>, %arg9: memref<512xf32, #tpu.memory_space<vmem>>, %arg10: memref<4x128xi32, #tpu.memory_space<vmem>>, %arg11: memref<4x128xf32, #tpu.memory_space<vmem>>, %arg12: memref<16512xf32, #tpu.memory_space<vmem_shared>>, %arg13: memref<!tpu.dma_semaphore, #tpu.memory_space<semaphore_mem>>, %arg14: memref<!tpu.dma_semaphore, #tpu.memory_space<semaphore_mem>>, %arg15: memref<!tpu.dma_semaphore, #tpu.memory_space<semaphore_mem>>) attributes {dimension_semantics = [#tpu.dimension_semantics<core_parallel>, #tpu.dimension_semantics<subcore_parallel>], iteration_bounds = array<i64: 1, 16>, scalar_prefetch = 0 : i64, scratch_operands = 9 : i64, tpu.core_type = #tpu.core_type<sc_vector_subcore>, window_params = [{transform_indices = #map}, {transform_indices = #map}, {transform_indices = #map}, {transform_indices = #map}, {transform_indices = #map}]} {
    %eq3A = arith.constant 0 : i32
    %eq3A_0 = arith.cmpi eq, %arg0, %eq3A : i32
    %convert_element_type3A = arith.extui %eq3A_0 : i1 to i32
    %cond3A = arith.constant 0 : i32
    %cond3A_1 = arith.cmpi ne, %convert_element_type3A, %cond3A : i32
    scf.if %cond3A_1 {
      %mul3A = arith.constant 512 : i32
      %mul3A_2 = arith.muli %arg1, %mul3A : i32
      %dma_start3A = tpu.memref_slice %arg2[%mul3A_2] : memref<8192xi32, #tpu.memory_space<hbm>> -> memref<512xi32, #tpu.memory_space<hbm>>
      %dma_start3A_3 = tpu.memref_slice %arg2[%mul3A_2] : memref<8192xi32, #tpu.memory_space<hbm>> -> memref<512xi32, #tpu.memory_space<hbm>>
      tpu.enqueue_dma source(%dma_start3A_3 : memref<512xi32, #tpu.memory_space<hbm>>) target(%arg7 : memref<512xi32, #tpu.memory_space<vmem>>) target_semaphore(%arg13 : memref<!tpu.dma_semaphore, #tpu.memory_space<semaphore_mem>>)
      %dma_start3A_4 = tpu.memref_slice %arg3[%mul3A_2] : memref<8192xi32, #tpu.memory_space<hbm>> -> memref<512xi32, #tpu.memory_space<hbm>>
      %dma_start3A_5 = tpu.memref_slice %arg3[%mul3A_2] : memref<8192xi32, #tpu.memory_space<hbm>> -> memref<512xi32, #tpu.memory_space<hbm>>
      tpu.enqueue_dma source(%dma_start3A_5 : memref<512xi32, #tpu.memory_space<hbm>>) target(%arg8 : memref<512xi32, #tpu.memory_space<vmem>>) target_semaphore(%arg13 : memref<!tpu.dma_semaphore, #tpu.memory_space<semaphore_mem>>)
      %dma_start3A_6 = tpu.memref_slice %arg4[%mul3A_2] : memref<8192xf32, #tpu.memory_space<hbm>> -> memref<512xf32, #tpu.memory_space<hbm>>
      %dma_start3A_7 = tpu.memref_slice %arg4[%mul3A_2] : memref<8192xf32, #tpu.memory_space<hbm>> -> memref<512xf32, #tpu.memory_space<hbm>>
      tpu.enqueue_dma source(%dma_start3A_7 : memref<512xf32, #tpu.memory_space<hbm>>) target(%arg9 : memref<512xf32, #tpu.memory_space<vmem>>) target_semaphore(%arg13 : memref<!tpu.dma_semaphore, #tpu.memory_space<semaphore_mem>>)
      %mul3A_8 = arith.constant 1024 : i32
      %mul3A_9 = arith.muli %arg1, %mul3A_8 : i32
      %mul3A_10 = arith.constant 1024 : i32
      %mul3A_11 = arith.muli %arg1, %mul3A_10 : i32
      %dma_start3A_12 = tpu.memref_slice %arg12[%mul3A_11] : memref<16512xf32, #tpu.memory_space<vmem_shared>> -> memref<1024xf32, #tpu.memory_space<vmem_shared>>
      %dma_start3A_13 = tpu.memref_slice %arg5[%mul3A_9] : memref<16384xf32, #tpu.memory_space<hbm>> -> memref<1024xf32, #tpu.memory_space<hbm>>
      tpu.enqueue_dma source(%dma_start3A_13 : memref<1024xf32, #tpu.memory_space<hbm>>) target(%dma_start3A_12 : memref<1024xf32, #tpu.memory_space<vmem_shared>>) target_semaphore(%arg14 : memref<!tpu.dma_semaphore, #tpu.memory_space<semaphore_mem>>)
      %dma_wait3A = tpu.memref_slice %arg2[%mul3A_2] : memref<8192xi32, #tpu.memory_space<hbm>> -> memref<512xi32, #tpu.memory_space<hbm>>
      %dma_wait3A_14 = tpu.memref_slice %arg2[%mul3A_2] : memref<8192xi32, #tpu.memory_space<hbm>> -> memref<512xi32, #tpu.memory_space<hbm>>
      tpu.wait_dma2 semaphore(%arg13 : memref<!tpu.dma_semaphore, #tpu.memory_space<semaphore_mem>>) src(%dma_wait3A_14 : memref<512xi32, #tpu.memory_space<hbm>>) dst(%arg7 : memref<512xi32, #tpu.memory_space<vmem>>)
      %dma_wait3A_15 = tpu.memref_slice %arg3[%mul3A_2] : memref<8192xi32, #tpu.memory_space<hbm>> -> memref<512xi32, #tpu.memory_space<hbm>>
      %dma_wait3A_16 = tpu.memref_slice %arg3[%mul3A_2] : memref<8192xi32, #tpu.memory_space<hbm>> -> memref<512xi32, #tpu.memory_space<hbm>>
      tpu.wait_dma2 semaphore(%arg13 : memref<!tpu.dma_semaphore, #tpu.memory_space<semaphore_mem>>) src(%dma_wait3A_16 : memref<512xi32, #tpu.memory_space<hbm>>) dst(%arg8 : memref<512xi32, #tpu.memory_space<vmem>>)
      %dma_wait3A_17 = tpu.memref_slice %arg4[%mul3A_2] : memref<8192xf32, #tpu.memory_space<hbm>> -> memref<512xf32, #tpu.memory_space<hbm>>
      %dma_wait3A_18 = tpu.memref_slice %arg4[%mul3A_2] : memref<8192xf32, #tpu.memory_space<hbm>> -> memref<512xf32, #tpu.memory_space<hbm>>
      tpu.wait_dma2 semaphore(%arg13 : memref<!tpu.dma_semaphore, #tpu.memory_space<semaphore_mem>>) src(%dma_wait3A_18 : memref<512xf32, #tpu.memory_space<hbm>>) dst(%arg9 : memref<512xf32, #tpu.memory_space<vmem>>)
      %get3A = arith.constant 0 : index
      %get3A_19 = tpu.vector_load %arg7[%get3A] {strides = array<i32>} : memref<512xi32, #tpu.memory_space<vmem>>, vector<16xi32>,
      %get3A_20 = arith.constant 0 : index
      %get3A_21 = tpu.vector_load %arg8[%get3A_20] {strides = array<i32>} : memref<512xi32, #tpu.memory_space<vmem>>, vector<16xi32>,
      %get3A_22 = arith.constant 0 : index
      %get3A_23 = tpu.vector_load %arg9[%get3A_22] {strides = array<i32>} : memref<512xf32, #tpu.memory_space<vmem>>, vector<16xf32>,
      %lt3A = arith.constant 256 : i32
      %lt3A_24 = vector.broadcast %lt3A : i32 to vector<16xi32>
      %lt3A_25 = arith.cmpi slt, %get3A_19, %lt3A_24 : vector<16xi32>
      %ge3A = arith.constant 448 : i32
      %ge3A_26 = vector.broadcast %ge3A : i32 to vector<16xi32>
      %ge3A_27 = arith.cmpi sge, %get3A_21, %ge3A_26 : vector<16xi32>
      %and3A = arith.andi %lt3A_25, %ge3A_27 : vector<16xi1>
      %iota3A = tpu.iota {dimensions = array<i32: 0>} : vector<16xi32>
      %add3A = arith.constant 16384 : i32
      %add3A_28 = vector.broadcast %add3A : i32 to vector<16xi32>
      %add3A_29 = arith.addi %add3A_28, %iota3A : vector<16xi32>
      %mul3A_30 = arith.constant 64 : i32
      %mul3A_31 = vector.broadcast %mul3A_30 : i32 to vector<16xi32>
      %mul3A_32 = arith.muli %get3A_19, %mul3A_31 : vector<16xi32>
      %sub3A = arith.constant 448 : i32
      %sub3A_33 = vector.broadcast %sub3A : i32 to vector<16xi32>
      %sub3A_34 = arith.subi %get3A_21, %sub3A_33 : vector<16xi32>
      %add3A_35 = arith.addi %mul3A_32, %sub3A_34 : vector<16xi32>
      %select_n3A = arith.select %and3A, %add3A_35, %add3A_29 : vector<16xi1>, vector<16xi32>
      %jit3A = arith.constant 0.000000e+00 : f32
      %broadcast_in_dim3A = vector.broadcast %jit3A : f32 to vector<16xf32>
      %select_n3A_36 = arith.select %and3A, %get3A_23, %broadcast_in_dim3A : vector<16xi1>, vector<16xf32>
      %swap3A = arith.constant 0 : i32
      %swap3A_37 = arith.index_cast %swap3A : i32 to index
      %swap3A_38 = arith.constant 0 : index
      %swap3A_39 = tpu.vector_load %arg10[%swap3A_37, %swap3A_38] {strides = array<i32>} : memref<4x128xi32, #tpu.memory_space<vmem>>, vector<16xi32>,
      tpu.vector_store %arg10[%swap3A_37, %swap3A_38], %select_n3A {strides = array<i32>} : memref<4x128xi32, #tpu.memory_space<vmem>>, vector<16xi32>,
      %swap3A_40 = arith.constant 0 : i32
      %swap3A_41 = arith.index_cast %swap3A_40 : i32 to index
      %swap3A_42 = arith.constant 0 : index
      %swap3A_43 = tpu.vector_load %arg11[%swap3A_41, %swap3A_42] {strides = array<i32>} : memref<4x128xf32, #tpu.memory_space<vmem>>, vector<16xf32>,
      tpu.vector_store %arg11[%swap3A_41, %swap3A_42], %select_n3A_36 {strides = array<i32>} : memref<4x128xf32, #tpu.memory_space<vmem>>, vector<16xf32>,
      %get3A_44 = arith.constant 16 : index
      %get3A_45 = tpu.vector_load %arg7[%get3A_44] {strides = array<i32>} : memref<512xi32, #tpu.memory_space<vmem>>, vector<16xi32>,
      %get3A_46 = arith.constant 16 : index
      %get3A_47 = tpu.vector_load %arg8[%get3A_46] {strides = array<i32>} : memref<512xi32, #tpu.memory_space<vmem>>, vector<16xi32>,
      %get3A_48 = arith.constant 16 : index
      %get3A_49 = tpu.vector_load %arg9[%get3A_48] {strides = array<i32>} : memref<512xf32, #tpu.memory_space<vmem>>, vector<16xf32>,
      %lt3A_50 = arith.constant 256 : i32
      %lt3A_51 = vector.broadcast %lt3A_50 : i32 to vector<16xi32>
      %lt3A_52 = arith.cmpi slt, %get3A_45, %lt3A_51 : vector<16xi32>
      %ge3A_53 = arith.constant 448 : i32
      %ge3A_54 = vector.broadcast %ge3A_53 : i32 to vector<16xi32>
      %ge3A_55 = arith.cmpi sge, %get3A_47, %ge3A_54 : vector<16xi32>
      %and3A_56 = arith.andi %lt3A_52, %ge3A_55 : vector<16xi1>
      %iota3A_57 = tpu.iota {dimensions = array<i32: 0>} : vector<16xi32>
      %add3A_58 = arith.constant 16400 : i32
      %add3A_59 = vector.broadcast %add3A_58 : i32 to vector<16xi32>
      %add3A_60 = arith.addi %add3A_59, %iota3A_57 : vector<16xi32>
      %mul3A_61 = arith.constant 64 : i32
      %mul3A_62 = vector.broadcast %mul3A_61 : i32 to vector<16xi32>
      %mul3A_63 = arith.muli %get3A_45, %mul3A_62 : vector<16xi32>
      %sub3A_64 = arith.constant 448 : i32
      %sub3A_65 = vector.broadcast %sub3A_64 : i32 to vector<16xi32>
      %sub3A_66 = arith.subi %get3A_47, %sub3A_65 : vector<16xi32>
      %add3A_67 = arith.addi %mul3A_63, %sub3A_66 : vector<16xi32>
      %select_n3A_68 = arith.select %and3A_56, %add3A_67, %add3A_60 : vector<16xi1>, vector<16xi32>
      %jit3A_69 = arith.constant 0.000000e+00 : f32
      %broadcast_in_dim3A_70 = vector.broadcast %jit3A_69 : f32 to vector<16xf32>
      %select_n3A_71 = arith.select %and3A_56, %get3A_49, %broadcast_in_dim3A_70 : vector<16xi1>, vector<16xf32>
      %swap3A_72 = arith.constant 0 : i32
      %swap3A_73 = arith.index_cast %swap3A_72 : i32 to index
      %swap3A_74 = arith.constant 16 : index
      %swap3A_75 = tpu.vector_load %arg10[%swap3A_73, %swap3A_74] {strides = array<i32>} : memref<4x128xi32, #tpu.memory_space<vmem>>, vector<16xi32>,
      tpu.vector_store %arg10[%swap3A_73, %swap3A_74], %select_n3A_68 {strides = array<i32>} : memref<4x128xi32, #tpu.memory_space<vmem>>, vector<16xi32>,
      %swap3A_76 = arith.constant 0 : i32
      %swap3A_77 = arith.index_cast %swap3A_76 : i32 to index
      %swap3A_78 = arith.constant 16 : index
      %swap3A_79 = tpu.vector_load %arg11[%swap3A_77, %swap3A_78] {strides = array<i32>} : memref<4x128xf32, #tpu.memory_space<vmem>>, vector<16xf32>,
      tpu.vector_store %arg11[%swap3A_77, %swap3A_78], %select_n3A_71 {strides = array<i32>} : memref<4x128xf32, #tpu.memory_space<vmem>>, vector<16xf32>,
      %get3A_80 = arith.constant 32 : index
      %get3A_81 = tpu.vector_load %arg7[%get3A_80] {strides = array<i32>} : memref<512xi32, #tpu.memory_space<vmem>>, vector<16xi32>,
      %get3A_82 = arith.constant 32 : index
      %get3A_83 = tpu.vector_load %arg8[%get3A_82] {strides = array<i32>} : memref<512xi32, #tpu.memory_space<vmem>>, vector<16xi32>,
      %get3A_84 = arith.constant 32 : index
      %get3A_85 = tpu.vector_load %arg9[%get3A_84] {strides = array<i32>} : memref<512xf32, #tpu.memory_space<vmem>>, vector<16xf32>,
      %lt3A_86 = arith.constant 256 : i32
      %lt3A_87 = vector.broadcast %lt3A_86 : i32 to vector<16xi32>
      %lt3A_88 = arith.cmpi slt, %get3A_81, %lt3A_87 : vector<16xi32>
      %ge3A_89 = arith.constant 448 : i32
      %ge3A_90 = vector.broadcast %ge3A_89 : i32 to vector<16xi32>
      %ge3A_91 = arith.cmpi sge, %get3A_83, %ge3A_90 : vector<16xi32>
      %and3A_92 = arith.andi %lt3A_88, %ge3A_91 : vector<16xi1>
      %iota3A_93 = tpu.iota {dimensions = array<i32: 0>} : vector<16xi32>
      %add3A_94 = arith.constant 16416 : i32
      %add3A_95 = vector.broadcast %add3A_94 : i32 to vector<16xi32>
      %add3A_96 = arith.addi %add3A_95, %iota3A_93 : vector<16xi32>
      %mul3A_97 = arith.constant 64 : i32
      %mul3A_98 = vector.broadcast %mul3A_97 : i32 to vector<16xi32>
      %mul3A_99 = arith.muli %get3A_81, %mul3A_98 : vector<16xi32>
      %sub3A_100 = arith.constant 448 : i32
      %sub3A_101 = vector.broadcast %sub3A_100 : i32 to vector<16xi32>
      %sub3A_102 = arith.subi %get3A_83, %sub3A_101 : vector<16xi32>
      %add3A_103 = arith.addi %mul3A_99, %sub3A_102 : vector<16xi32>
      %select_n3A_104 = arith.select %and3A_92, %add3A_103, %add3A_96 : vector<16xi1>, vector<16xi32>
      %jit3A_105 = arith.constant 0.000000e+00 : f32
      %broadcast_in_dim3A_106 = vector.broadcast %jit3A_105 : f32 to vector<16xf32>
      %select_n3A_107 = arith.select %and3A_92, %get3A_85, %broadcast_in_dim3A_106 : vector<16xi1>, vector<16xf32>
      %swap3A_108 = arith.constant 0 : i32
      %swap3A_109 = arith.index_cast %swap3A_108 : i32 to index
      %swap3A_110 = arith.constant 32 : index
      %swap3A_111 = tpu.vector_load %arg10[%swap3A_109, %swap3A_110] {strides = array<i32>} : memref<4x128xi32, #tpu.memory_space<vmem>>, vector<16xi32>,
      tpu.vector_store %arg10[%swap3A_109, %swap3A_110], %select_n3A_104 {strides = array<i32>} : memref<4x128xi32, #tpu.memory_space<vmem>>, vector<16xi32>,
      %swap3A_112 = arith.constant 0 : i32
      %swap3A_113 = arith.index_cast %swap3A_112 : i32 to index
      %swap3A_114 = arith.constant 32 : index
      %swap3A_115 = tpu.vector_load %arg11[%swap3A_113, %swap3A_114] {strides = array<i32>} : memref<4x128xf32, #tpu.memory_space<vmem>>, vector<16xf32>,
      tpu.vector_store %arg11[%swap3A_113, %swap3A_114], %select_n3A_107 {strides = array<i32>} : memref<4x128xf32, #tpu.memory_space<vmem>>, vector<16xf32>,
      %get3A_116 = arith.constant 48 : index
      %get3A_117 = tpu.vector_load %arg7[%get3A_116] {strides = array<i32>} : memref<512xi32, #tpu.memory_space<vmem>>, vector<16xi32>,
      %get3A_118 = arith.constant 48 : index
      %get3A_119 = tpu.vector_load %arg8[%get3A_118] {strides = array<i32>} : memref<512xi32, #tpu.memory_space<vmem>>, vector<16xi32>,
      %get3A_120 = arith.constant 48 : index
      %get3A_121 = tpu.vector_load %arg9[%get3A_120] {strides = array<i32>} : memref<512xf32, #tpu.memory_space<vmem>>, vector<16xf32>,
      %lt3A_122 = arith.constant 256 : i32
      %lt3A_123 = vector.broadcast %lt3A_122 : i32 to vector<16xi32>
      %lt3A_124 = arith.cmpi slt, %get3A_117, %lt3A_123 : vector<16xi32>
      %ge3A_125 = arith.constant 448 : i32
      %ge3A_126 = vector.broadcast %ge3A_125 : i32 to vector<16xi32>
      %ge3A_127 = arith.cmpi sge, %get3A_119, %ge3A_126 : vector<16xi32>
      %and3A_128 = arith.andi %lt3A_124, %ge3A_127 : vector<16xi1>
      %iota3A_129 = tpu.iota {dimensions = array<i32: 0>} : vector<16xi32>
      %add3A_130 = arith.constant 16432 : i32
      %add3A_131 = vector.broadcast %add3A_130 : i32 to vector<16xi32>
      %add3A_132 = arith.addi %add3A_131, %iota3A_129 : vector<16xi32>
      %mul3A_133 = arith.constant 64 : i32
      %mul3A_134 = vector.broadcast %mul3A_133 : i32 to vector<16xi32>
      %mul3A_135 = arith.muli %get3A_117, %mul3A_134 : vector<16xi32>
      %sub3A_136 = arith.constant 448 : i32
      %sub3A_137 = vector.broadcast %sub3A_136 : i32 to vector<16xi32>
      %sub3A_138 = arith.subi %get3A_119, %sub3A_137 : vector<16xi32>
      %add3A_139 = arith.addi %mul3A_135, %sub3A_138 : vector<16xi32>
      %select_n3A_140 = arith.select %and3A_128, %add3A_139, %add3A_132 : vector<16xi1>, vector<16xi32>
      %jit3A_141 = arith.constant 0.000000e+00 : f32
      %broadcast_in_dim3A_142 = vector.broadcast %jit3A_141 : f32 to vector<16xf32>
      %select_n3A_143 = arith.select %and3A_128, %get3A_121, %broadcast_in_dim3A_142 : vector<16xi1>, vector<16xf32>
      %swap3A_144 = arith.constant 0 : i32
      %swap3A_145 = arith.index_cast %swap3A_144 : i32 to index
      %swap3A_146 = arith.constant 48 : index
      %swap3A_147 = tpu.vector_load %arg10[%swap3A_145, %swap3A_146] {strides = array<i32>} : memref<4x128xi32, #tpu.memory_space<vmem>>, vector<16xi32>,
      tpu.vector_store %arg10[%swap3A_145, %swap3A_146], %select_n3A_140 {strides = array<i32>} : memref<4x128xi32, #tpu.memory_space<vmem>>, vector<16xi32>,
      %swap3A_148 = arith.constant 0 : i32
      %swap3A_149 = arith.index_cast %swap3A_148 : i32 to index
      %swap3A_150 = arith.constant 48 : index
      %swap3A_151 = tpu.vector_load %arg11[%swap3A_149, %swap3A_150] {strides = array<i32>} : memref<4x128xf32, #tpu.memory_space<vmem>>, vector<16xf32>,
      tpu.vector_store %arg11[%swap3A_149, %swap3A_150], %select_n3A_143 {strides = array<i32>} : memref<4x128xf32, #tpu.memory_space<vmem>>, vector<16xf32>,
      %get3A_152 = arith.constant 64 : index
      %get3A_153 = tpu.vector_load %arg7[%get3A_152] {strides = array<i32>} : memref<512xi32, #tpu.memory_space<vmem>>, vector<16xi32>,
      %get3A_154 = arith.constant 64 : index
      %get3A_155 = tpu.vector_load %arg8[%get3A_154] {strides = array<i32>} : memref<512xi32, #tpu.memory_space<vmem>>, vector<16xi32>,
      %get3A_156 = arith.constant 64 : index
      %get3A_157 = tpu.vector_load %arg9[%get3A_156] {strides = array<i32>} : memref<512xf32, #tpu.memory_space<vmem>>, vector<16xf32>,
      %lt3A_158 = arith.constant 256 : i32
      %lt3A_159 = vector.broadcast %lt3A_158 : i32 to vector<16xi32>
      %lt3A_160 = arith.cmpi slt, %get3A_153, %lt3A_159 : vector<16xi32>
      %ge3A_161 = arith.constant 448 : i32
      %ge3A_162 = vector.broadcast %ge3A_161 : i32 to vector<16xi32>
      %ge3A_163 = arith.cmpi sge, %get3A_155, %ge3A_162 : vector<16xi32>
      %and3A_164 = arith.andi %lt3A_160, %ge3A_163 : vector<16xi1>
      %iota3A_165 = tpu.iota {dimensions = array<i32: 0>} : vector<16xi32>
      %add3A_166 = arith.constant 16448 : i32
      %add3A_167 = vector.broadcast %add3A_166 : i32 to vector<16xi32>
      %add3A_168 = arith.addi %add3A_167, %iota3A_165 : vector<16xi32>
      %mul3A_169 = arith.constant 64 : i32
      %mul3A_170 = vector.broadcast %mul3A_169 : i32 to vector<16xi32>
      %mul3A_171 = arith.muli %get3A_153, %mul3A_170 : vector<16xi32>
      %sub3A_172 = arith.constant 448 : i32
      %sub3A_173 = vector.broadcast %sub3A_172 : i32 to vector<16xi32>
      %sub3A_174 = arith.subi %get3A_155, %sub3A_173 : vector<16xi32>
      %add3A_175 = arith.addi %mul3A_171, %sub3A_174 : vector<16xi32>
      %select_n3A_176 = arith.select %and3A_164, %add3A_175, %add3A_168 : vector<16xi1>, vector<16xi32>
      %jit3A_177 = arith.constant 0.000000e+00 : f32
      %broadcast_in_dim3A_178 = vector.broadcast %jit3A_177 : f32 to vector<16xf32>
      %select_n3A_179 = arith.select %and3A_164, %get3A_157, %broadcast_in_dim3A_178 : vector<16xi1>, vector<16xf32>
      %swap3A_180 = arith.constant 0 : i32
      %swap3A_181 = arith.index_cast %swap3A_180 : i32 to index
      %swap3A_182 = arith.constant 64 : index
      %swap3A_183 = tpu.vector_load %arg10[%swap3A_181, %swap3A_182] {strides = array<i32>} : memref<4x128xi32, #tpu.memory_space<vmem>>, vector<16xi32>,
      tpu.vector_store %arg10[%swap3A_181, %swap3A_182], %select_n3A_176 {strides = array<i32>} : memref<4x128xi32, #tpu.memory_space<vmem>>, vector<16xi32>,
      %swap3A_184 = arith.constant 0 : i32
      %swap3A_185 = arith.index_cast %swap3A_184 : i32 to index
      %swap3A_186 = arith.constant 64 : index
      %swap3A_187 = tpu.vector_load %arg11[%swap3A_185, %swap3A_186] {strides = array<i32>} : memref<4x128xf32, #tpu.memory_space<vmem>>, vector<16xf32>,
      tpu.vector_store %arg11[%swap3A_185, %swap3A_186], %select_n3A_179 {strides = array<i32>} : memref<4x128xf32, #tpu.memory_space<vmem>>, vector<16xf32>,
      %get3A_188 = arith.constant 80 : index
      %get3A_189 = tpu.vector_load %arg7[%get3A_188] {strides = array<i32>} : memref<512xi32, #tpu.memory_space<vmem>>, vector<16xi32>,
      %get3A_190 = arith.constant 80 : index
      %get3A_191 = tpu.vector_load %arg8[%get3A_190] {strides = array<i32>} : memref<512xi32, #tpu.memory_space<vmem>>, vector<16xi32>,
      %get3A_192 = arith.constant 80 : index
      %get3A_193 = tpu.vector_load %arg9[%get3A_192] {strides = array<i32>} : memref<512xf32, #tpu.memory_space<vmem>>, vector<16xf32>,
      %lt3A_194 = arith.constant 256 : i32
      %lt3A_195 = vector.broadcast %lt3A_194 : i32 to vector<16xi32>
      %lt3A_196 = arith.cmpi slt, %get3A_189, %lt3A_195 : vector<16xi32>
      %ge3A_197 = arith.constant 448 : i32
      %ge3A_198 = vector.broadcast %ge3A_197 : i32 to vector<16xi32>
      %ge3A_199 = arith.cmpi sge, %get3A_191, %ge3A_198 : vector<16xi32>
      %and3A_200 = arith.andi %lt3A_196, %ge3A_199 : vector<16xi1>
      %iota3A_201 = tpu.iota {dimensions = array<i32: 0>} : vector<16xi32>
      %add3A_202 = arith.constant 16464 : i32
      %add3A_203 = vector.broadcast %add3A_202 : i32 to vector<16xi32>
      %add3A_204 = arith.addi %add3A_203, %iota3A_201 : vector<16xi32>
      %mul3A_205 = arith.constant 64 : i32
      %mul3A_206 = vector.broadcast %mul3A_205 : i32 to vector<16xi32>
      %mul3A_207 = arith.muli %get3A_189, %mul3A_206 : vector<16xi32>
      %sub3A_208 = arith.constant 448 : i32
      %sub3A_209 = vector.broadcast %sub3A_208 : i32 to vector<16xi32>
      %sub3A_210 = arith.subi %get3A_191, %sub3A_209 : vector<16xi32>
      %add3A_211 = arith.addi %mul3A_207, %sub3A_210 : vector<16xi32>
      %select_n3A_212 = arith.select %and3A_200, %add3A_211, %add3A_204 : vector<16xi1>, vector<16xi32>
      %jit3A_213 = arith.constant 0.000000e+00 : f32
      %broadcast_in_dim3A_214 = vector.broadcast %jit3A_213 : f32 to vector<16xf32>
      %select_n3A_215 = arith.select %and3A_200, %get3A_193, %broadcast_in_dim3A_214 : vector<16xi1>, vector<16xf32>
      %swap3A_216 = arith.constant 0 : i32
      %swap3A_217 = arith.index_cast %swap3A_216 : i32 to index
      %swap3A_218 = arith.constant 80 : index
      %swap3A_219 = tpu.vector_load %arg10[%swap3A_217, %swap3A_218] {strides = array<i32>} : memref<4x128xi32, #tpu.memory_space<vmem>>, vector<16xi32>,
      tpu.vector_store %arg10[%swap3A_217, %swap3A_218], %select_n3A_212 {strides = array<i32>} : memref<4x128xi32, #tpu.memory_space<vmem>>, vector<16xi32>,
      %swap3A_220 = arith.constant 0 : i32
      %swap3A_221 = arith.index_cast %swap3A_220 : i32 to index
      %swap3A_222 = arith.constant 80 : index
      %swap3A_223 = tpu.vector_load %arg11[%swap3A_221, %swap3A_222] {strides = array<i32>} : memref<4x128xf32, #tpu.memory_space<vmem>>, vector<16xf32>,
      tpu.vector_store %arg11[%swap3A_221, %swap3A_222], %select_n3A_215 {strides = array<i32>} : memref<4x128xf32, #tpu.memory_space<vmem>>, vector<16xf32>,
      %get3A_224 = arith.constant 96 : index
      %get3A_225 = tpu.vector_load %arg7[%get3A_224] {strides = array<i32>} : memref<512xi32, #tpu.memory_space<vmem>>, vector<16xi32>,
      %get3A_226 = arith.constant 96 : index
      %get3A_227 = tpu.vector_load %arg8[%get3A_226] {strides = array<i32>} : memref<512xi32, #tpu.memory_space<vmem>>, vector<16xi32>,
      %get3A_228 = arith.constant 96 : index
      %get3A_229 = tpu.vector_load %arg9[%get3A_228] {strides = array<i32>} : memref<512xf32, #tpu.memory_space<vmem>>, vector<16xf32>,
      %lt3A_230 = arith.constant 256 : i32
      %lt3A_231 = vector.broadcast %lt3A_230 : i32 to vector<16xi32>
      %lt3A_232 = arith.cmpi slt, %get3A_225, %lt3A_231 : vector<16xi32>
      %ge3A_233 = arith.constant 448 : i32
      %ge3A_234 = vector.broadcast %ge3A_233 : i32 to vector<16xi32>
      %ge3A_235 = arith.cmpi sge, %get3A_227, %ge3A_234 : vector<16xi32>
      %and3A_236 = arith.andi %lt3A_232, %ge3A_235 : vector<16xi1>
      %iota3A_237 = tpu.iota {dimensions = array<i32: 0>} : vector<16xi32>
      %add3A_238 = arith.constant 16480 : i32
      %add3A_239 = vector.broadcast %add3A_238 : i32 to vector<16xi32>
      %add3A_240 = arith.addi %add3A_239, %iota3A_237 : vector<16xi32>
      %mul3A_241 = arith.constant 64 : i32
      %mul3A_242 = vector.broadcast %mul3A_241 : i32 to vector<16xi32>
      %mul3A_243 = arith.muli %get3A_225, %mul3A_242 : vector<16xi32>
      %sub3A_244 = arith.constant 448 : i32
      %sub3A_245 = vector.broadcast %sub3A_244 : i32 to vector<16xi32>
      %sub3A_246 = arith.subi %get3A_227, %sub3A_245 : vector<16xi32>
      %add3A_247 = arith.addi %mul3A_243, %sub3A_246 : vector<16xi32>
      %select_n3A_248 = arith.select %and3A_236, %add3A_247, %add3A_240 : vector<16xi1>, vector<16xi32>
      %jit3A_249 = arith.constant 0.000000e+00 : f32
      %broadcast_in_dim3A_250 = vector.broadcast %jit3A_249 : f32 to vector<16xf32>
      %select_n3A_251 = arith.select %and3A_236, %get3A_229, %broadcast_in_dim3A_250 : vector<16xi1>, vector<16xf32>
      %swap3A_252 = arith.constant 0 : i32
      %swap3A_253 = arith.index_cast %swap3A_252 : i32 to index
      %swap3A_254 = arith.constant 96 : index
      %swap3A_255 = tpu.vector_load %arg10[%swap3A_253, %swap3A_254] {strides = array<i32>} : memref<4x128xi32, #tpu.memory_space<vmem>>, vector<16xi32>,
      tpu.vector_store %arg10[%swap3A_253, %swap3A_254], %select_n3A_248 {strides = array<i32>} : memref<4x128xi32, #tpu.memory_space<vmem>>, vector<16xi32>,
      %swap3A_256 = arith.constant 0 : i32
      %swap3A_257 = arith.index_cast %swap3A_256 : i32 to index
      %swap3A_258 = arith.constant 96 : index
      %swap3A_259 = tpu.vector_load %arg11[%swap3A_257, %swap3A_258] {strides = array<i32>} : memref<4x128xf32, #tpu.memory_space<vmem>>, vector<16xf32>,
      tpu.vector_store %arg11[%swap3A_257, %swap3A_258], %select_n3A_251 {strides = array<i32>} : memref<4x128xf32, #tpu.memory_space<vmem>>, vector<16xf32>,
      %get3A_260 = arith.constant 112 : index
      %get3A_261 = tpu.vector_load %arg7[%get3A_260] {strides = array<i32>} : memref<512xi32, #tpu.memory_space<vmem>>, vector<16xi32>,
      %get3A_262 = arith.constant 112 : index
      %get3A_263 = tpu.vector_load %arg8[%get3A_262] {strides = array<i32>} : memref<512xi32, #tpu.memory_space<vmem>>, vector<16xi32>,
      %get3A_264 = arith.constant 112 : index
      %get3A_265 = tpu.vector_load %arg9[%get3A_264] {strides = array<i32>} : memref<512xf32, #tpu.memory_space<vmem>>, vector<16xf32>,
      %lt3A_266 = arith.constant 256 : i32
      %lt3A_267 = vector.broadcast %lt3A_266 : i32 to vector<16xi32>
      %lt3A_268 = arith.cmpi slt, %get3A_261, %lt3A_267 : vector<16xi32>
      %ge3A_269 = arith.constant 448 : i32
      %ge3A_270 = vector.broadcast %ge3A_269 : i32 to vector<16xi32>
      %ge3A_271 = arith.cmpi sge, %get3A_263, %ge3A_270 : vector<16xi32>
      %and3A_272 = arith.andi %lt3A_268, %ge3A_271 : vector<16xi1>
      %iota3A_273 = tpu.iota {dimensions = array<i32: 0>} : vector<16xi32>
      %add3A_274 = arith.constant 16496 : i32
      %add3A_275 = vector.broadcast %add3A_274 : i32 to vector<16xi32>
      %add3A_276 = arith.addi %add3A_275, %iota3A_273 : vector<16xi32>
      %mul3A_277 = arith.constant 64 : i32
      %mul3A_278 = vector.broadcast %mul3A_277 : i32 to vector<16xi32>
      %mul3A_279 = arith.muli %get3A_261, %mul3A_278 : vector<16xi32>
      %sub3A_280 = arith.constant 448 : i32
      %sub3A_281 = vector.broadcast %sub3A_280 : i32 to vector<16xi32>
      %sub3A_282 = arith.subi %get3A_263, %sub3A_281 : vector<16xi32>
      %add3A_283 = arith.addi %mul3A_279, %sub3A_282 : vector<16xi32>
      %select_n3A_284 = arith.select %and3A_272, %add3A_283, %add3A_276 : vector<16xi1>, vector<16xi32>
      %jit3A_285 = arith.constant 0.000000e+00 : f32
      %broadcast_in_dim3A_286 = vector.broadcast %jit3A_285 : f32 to vector<16xf32>
      %select_n3A_287 = arith.select %and3A_272, %get3A_265, %broadcast_in_dim3A_286 : vector<16xi1>, vector<16xf32>
      %swap3A_288 = arith.constant 0 : i32
      %swap3A_289 = arith.index_cast %swap3A_288 : i32 to index
      %swap3A_290 = arith.constant 112 : index
      %swap3A_291 = tpu.vector_load %arg10[%swap3A_289, %swap3A_290] {strides = array<i32>} : memref<4x128xi32, #tpu.memory_space<vmem>>, vector<16xi32>,
      tpu.vector_store %arg10[%swap3A_289, %swap3A_290], %select_n3A_284 {strides = array<i32>} : memref<4x128xi32, #tpu.memory_space<vmem>>, vector<16xi32>,
      %swap3A_292 = arith.constant 0 : i32
      %swap3A_293 = arith.index_cast %swap3A_292 : i32 to index
      %swap3A_294 = arith.constant 112 : index
      %swap3A_295 = tpu.vector_load %arg11[%swap3A_293, %swap3A_294] {strides = array<i32>} : memref<4x128xf32, #tpu.memory_space<vmem>>, vector<16xf32>,
      tpu.vector_store %arg11[%swap3A_293, %swap3A_294], %select_n3A_287 {strides = array<i32>} : memref<4x128xf32, #tpu.memory_space<vmem>>, vector<16xf32>,
      %get3A_296 = arith.constant 128 : index
      %get3A_297 = tpu.vector_load %arg7[%get3A_296] {strides = array<i32>} : memref<512xi32, #tpu.memory_space<vmem>>, vector<16xi32>,
      %get3A_298 = arith.constant 128 : index
      %get3A_299 = tpu.vector_load %arg8[%get3A_298] {strides = array<i32>} : memref<512xi32, #tpu.memory_space<vmem>>, vector<16xi32>,
      %get3A_300 = arith.constant 128 : index
      %get3A_301 = tpu.vector_load %arg9[%get3A_300] {strides = array<i32>} : memref<512xf32, #tpu.memory_space<vmem>>, vector<16xf32>,
      %lt3A_302 = arith.constant 256 : i32
      %lt3A_303 = vector.broadcast %lt3A_302 : i32 to vector<16xi32>
      %lt3A_304 = arith.cmpi slt, %get3A_297, %lt3A_303 : vector<16xi32>
      %ge3A_305 = arith.constant 448 : i32
      %ge3A_306 = vector.broadcast %ge3A_305 : i32 to vector<16xi32>
      %ge3A_307 = arith.cmpi sge, %get3A_299, %ge3A_306 : vector<16xi32>
      %and3A_308 = arith.andi %lt3A_304, %ge3A_307 : vector<16xi1>
      %iota3A_309 = tpu.iota {dimensions = array<i32: 0>} : vector<16xi32>
      %add3A_310 = arith.constant 16384 : i32
      %add3A_311 = vector.broadcast %add3A_310 : i32 to vector<16xi32>
      %add3A_312 = arith.addi %add3A_311, %iota3A_309 : vector<16xi32>
      %mul3A_313 = arith.constant 64 : i32
      %mul3A_314 = vector.broadcast %mul3A_313 : i32 to vector<16xi32>
      %mul3A_315 = arith.muli %get3A_297, %mul3A_314 : vector<16xi32>
      %sub3A_316 = arith.constant 448 : i32
      %sub3A_317 = vector.broadcast %sub3A_316 : i32 to vector<16xi32>
      %sub3A_318 = arith.subi %get3A_299, %sub3A_317 : vector<16xi32>
      %add3A_319 = arith.addi %mul3A_315, %sub3A_318 : vector<16xi32>
      %select_n3A_320 = arith.select %and3A_308, %add3A_319, %add3A_312 : vector<16xi1>, vector<16xi32>
      %jit3A_321 = arith.constant 0.000000e+00 : f32
      %broadcast_in_dim3A_322 = vector.broadcast %jit3A_321 : f32 to vector<16xf32>
      %select_n3A_323 = arith.select %and3A_308, %get3A_301, %broadcast_in_dim3A_322 : vector<16xi1>, vector<16xf32>
      %swap3A_324 = arith.constant 1 : i32
      %swap3A_325 = arith.index_cast %swap3A_324 : i32 to index
      %swap3A_326 = arith.constant 0 : index
      %swap3A_327 = tpu.vector_load %arg10[%swap3A_325, %swap3A_326] {strides = array<i32>} : memref<4x128xi32, #tpu.memory_space<vmem>>, vector<16xi32>,
      tpu.vector_store %arg10[%swap3A_325, %swap3A_326], %select_n3A_320 {strides = array<i32>} : memref<4x128xi32, #tpu.memory_space<vmem>>, vector<16xi32>,
      %swap3A_328 = arith.constant 1 : i32
      %swap3A_329 = arith.index_cast %swap3A_328 : i32 to index
      %swap3A_330 = arith.constant 0 : index
      %swap3A_331 = tpu.vector_load %arg11[%swap3A_329, %swap3A_330] {strides = array<i32>} : memref<4x128xf32, #tpu.memory_space<vmem>>, vector<16xf32>,
      tpu.vector_store %arg11[%swap3A_329, %swap3A_330], %select_n3A_323 {strides = array<i32>} : memref<4x128xf32, #tpu.memory_space<vmem>>, vector<16xf32>,
      %get3A_332 = arith.constant 144 : index
      %get3A_333 = tpu.vector_load %arg7[%get3A_332] {strides = array<i32>} : memref<512xi32, #tpu.memory_space<vmem>>, vector<16xi32>,
      %get3A_334 = arith.constant 144 : index
      %get3A_335 = tpu.vector_load %arg8[%get3A_334] {strides = array<i32>} : memref<512xi32, #tpu.memory_space<vmem>>, vector<16xi32>,
      %get3A_336 = arith.constant 144 : index
      %get3A_337 = tpu.vector_load %arg9[%get3A_336] {strides = array<i32>} : memref<512xf32, #tpu.memory_space<vmem>>, vector<16xf32>,
      %lt3A_338 = arith.constant 256 : i32
      %lt3A_339 = vector.broadcast %lt3A_338 : i32 to vector<16xi32>
      %lt3A_340 = arith.cmpi slt, %get3A_333, %lt3A_339 : vector<16xi32>
      %ge3A_341 = arith.constant 448 : i32
      %ge3A_342 = vector.broadcast %ge3A_341 : i32 to vector<16xi32>
      %ge3A_343 = arith.cmpi sge, %get3A_335, %ge3A_342 : vector<16xi32>
      %and3A_344 = arith.andi %lt3A_340, %ge3A_343 : vector<16xi1>
      %iota3A_345 = tpu.iota {dimensions = array<i32: 0>} : vector<16xi32>
      %add3A_346 = arith.constant 16400 : i32
      %add3A_347 = vector.broadcast %add3A_346 : i32 to vector<16xi32>
      %add3A_348 = arith.addi %add3A_347, %iota3A_345 : vector<16xi32>
      %mul3A_349 = arith.constant 64 : i32
      %mul3A_350 = vector.broadcast %mul3A_349 : i32 to vector<16xi32>
      %mul3A_351 = arith.muli %get3A_333, %mul3A_350 : vector<16xi32>
      %sub3A_352 = arith.constant 448 : i32
      %sub3A_353 = vector.broadcast %sub3A_352 : i32 to vector<16xi32>
      %sub3A_354 = arith.subi %get3A_335, %sub3A_353 : vector<16xi32>
      %add3A_355 = arith.addi %mul3A_351, %sub3A_354 : vector<16xi32>
      %select_n3A_356 = arith.select %and3A_344, %add3A_355, %add3A_348 : vector<16xi1>, vector<16xi32>
      %jit3A_357 = arith.constant 0.000000e+00 : f32
      %broadcast_in_dim3A_358 = vector.broadcast %jit3A_357 : f32 to vector<16xf32>
      %select_n3A_359 = arith.select %and3A_344, %get3A_337, %broadcast_in_dim3A_358 : vector<16xi1>, vector<16xf32>
      %swap3A_360 = arith.constant 1 : i32
      %swap3A_361 = arith.index_cast %swap3A_360 : i32 to index
      %swap3A_362 = arith.constant 16 : index
      %swap3A_363 = tpu.vector_load %arg10[%swap3A_361, %swap3A_362] {strides = array<i32>} : memref<4x128xi32, #tpu.memory_space<vmem>>, vector<16xi32>,
      tpu.vector_store %arg10[%swap3A_361, %swap3A_362], %select_n3A_356 {strides = array<i32>} : memref<4x128xi32, #tpu.memory_space<vmem>>, vector<16xi32>,
      %swap3A_364 = arith.constant 1 : i32
      %swap3A_365 = arith.index_cast %swap3A_364 : i32 to index
      %swap3A_366 = arith.constant 16 : index
      %swap3A_367 = tpu.vector_load %arg11[%swap3A_365, %swap3A_366] {strides = array<i32>} : memref<4x128xf32, #tpu.memory_space<vmem>>, vector<16xf32>,
      tpu.vector_store %arg11[%swap3A_365, %swap3A_366], %select_n3A_359 {strides = array<i32>} : memref<4x128xf32, #tpu.memory_space<vmem>>, vector<16xf32>,
      %get3A_368 = arith.constant 160 : index
      %get3A_369 = tpu.vector_load %arg7[%get3A_368] {strides = array<i32>} : memref<512xi32, #tpu.memory_space<vmem>>, vector<16xi32>,
      %get3A_370 = arith.constant 160 : index
      %get3A_371 = tpu.vector_load %arg8[%get3A_370] {strides = array<i32>} : memref<512xi32, #tpu.memory_space<vmem>>, vector<16xi32>,
      %get3A_372 = arith.constant 160 : index
      %get3A_373 = tpu.vector_load %arg9[%get3A_372] {strides = array<i32>} : memref<512xf32, #tpu.memory_space<vmem>>, vector<16xf32>,
      %lt3A_374 = arith.constant 256 : i32
      %lt3A_375 = vector.broadcast %lt3A_374 : i32 to vector<16xi32>
      %lt3A_376 = arith.cmpi slt, %get3A_369, %lt3A_375 : vector<16xi32>
      %ge3A_377 = arith.constant 448 : i32
      %ge3A_378 = vector.broadcast %ge3A_377 : i32 to vector<16xi32>
      %ge3A_379 = arith.cmpi sge, %get3A_371, %ge3A_378 : vector<16xi32>
      %and3A_380 = arith.andi %lt3A_376, %ge3A_379 : vector<16xi1>
      %iota3A_381 = tpu.iota {dimensions = array<i32: 0>} : vector<16xi32>
      %add3A_382 = arith.constant 16416 : i32
      %add3A_383 = vector.broadcast %add3A_382 : i32 to vector<16xi32>
      %add3A_384 = arith.addi %add3A_383, %iota3A_381 : vector<16xi32>
      %mul3A_385 = arith.constant 64 : i32
      %mul3A_386 = vector.broadcast %mul3A_385 : i32 to vector<16xi32>
      %mul3A_387 = arith.muli %get3A_369, %mul3A_386 : vector<16xi32>
      %sub3A_388 = arith.constant 448 : i32
      %sub3A_389 = vector.broadcast %sub3A_388 : i32 to vector<16xi32>
      %sub3A_390 = arith.subi %get3A_371, %sub3A_389 : vector<16xi32>
      %add3A_391 = arith.addi %mul3A_387, %sub3A_390 : vector<16xi32>
      %select_n3A_392 = arith.select %and3A_380, %add3A_391, %add3A_384 : vector<16xi1>, vector<16xi32>
      %jit3A_393 = arith.constant 0.000000e+00 : f32
      %broadcast_in_dim3A_394 = vector.broadcast %jit3A_393 : f32 to vector<16xf32>
      %select_n3A_395 = arith.select %and3A_380, %get3A_373, %broadcast_in_dim3A_394 : vector<16xi1>, vector<16xf32>
      %swap3A_396 = arith.constant 1 : i32
      %swap3A_397 = arith.index_cast %swap3A_396 : i32 to index
      %swap3A_398 = arith.constant 32 : index
      %swap3A_399 = tpu.vector_load %arg10[%swap3A_397, %swap3A_398] {strides = array<i32>} : memref<4x128xi32, #tpu.memory_space<vmem>>, vector<16xi32>,
      tpu.vector_store %arg10[%swap3A_397, %swap3A_398], %select_n3A_392 {strides = array<i32>} : memref<4x128xi32, #tpu.memory_space<vmem>>, vector<16xi32>,
      %swap3A_400 = arith.constant 1 : i32
      %swap3A_401 = arith.index_cast %swap3A_400 : i32 to index
      %swap3A_402 = arith.constant 32 : index
      %swap3A_403 = tpu.vector_load %arg11[%swap3A_401, %swap3A_402] {strides = array<i32>} : memref<4x128xf32, #tpu.memory_space<vmem>>, vector<16xf32>,
      tpu.vector_store %arg11[%swap3A_401, %swap3A_402], %select_n3A_395 {strides = array<i32>} : memref<4x128xf32, #tpu.memory_space<vmem>>, vector<16xf32>,
      %get3A_404 = arith.constant 176 : index
      %get3A_405 = tpu.vector_load %arg7[%get3A_404] {strides = array<i32>} : memref<512xi32, #tpu.memory_space<vmem>>, vector<16xi32>,
      %get3A_406 = arith.constant 176 : index
      %get3A_407 = tpu.vector_load %arg8[%get3A_406] {strides = array<i32>} : memref<512xi32, #tpu.memory_space<vmem>>, vector<16xi32>,
      %get3A_408 = arith.constant 176 : index
      %get3A_409 = tpu.vector_load %arg9[%get3A_408] {strides = array<i32>} : memref<512xf32, #tpu.memory_space<vmem>>, vector<16xf32>,
      %lt3A_410 = arith.constant 256 : i32
      %lt3A_411 = vector.broadcast %lt3A_410 : i32 to vector<16xi32>
      %lt3A_412 = arith.cmpi slt, %get3A_405, %lt3A_411 : vector<16xi32>
      %ge3A_413 = arith.constant 448 : i32
      %ge3A_414 = vector.broadcast %ge3A_413 : i32 to vector<16xi32>
      %ge3A_415 = arith.cmpi sge, %get3A_407, %ge3A_414 : vector<16xi32>
      %and3A_416 = arith.andi %lt3A_412, %ge3A_415 : vector<16xi1>
      %iota3A_417 = tpu.iota {dimensions = array<i32: 0>} : vector<16xi32>
      %add3A_418 = arith.constant 16432 : i32
      %add3A_419 = vector.broadcast %add3A_418 : i32 to vector<16xi32>
      %add3A_420 = arith.addi %add3A_419, %iota3A_417 : vector<16xi32>
      %mul3A_421 = arith.constant 64 : i32
      %mul3A_422 = vector.broadcast %mul3A_421 : i32 to vector<16xi32>
      %mul3A_423 = arith.muli %get3A_405, %mul3A_422 : vector<16xi32>
      %sub3A_424 = arith.constant 448 : i32
      %sub3A_425 = vector.broadcast %sub3A_424 : i32 to vector<16xi32>
      %sub3A_426 = arith.subi %get3A_407, %sub3A_425 : vector<16xi32>
      %add3A_427 = arith.addi %mul3A_423, %sub3A_426 : vector<16xi32>
      %select_n3A_428 = arith.select %and3A_416, %add3A_427, %add3A_420 : vector<16xi1>, vector<16xi32>
      %jit3A_429 = arith.constant 0.000000e+00 : f32
      %broadcast_in_dim3A_430 = vector.broadcast %jit3A_429 : f32 to vector<16xf32>
      %select_n3A_431 = arith.select %and3A_416, %get3A_409, %broadcast_in_dim3A_430 : vector<16xi1>, vector<16xf32>
      %swap3A_432 = arith.constant 1 : i32
      %swap3A_433 = arith.index_cast %swap3A_432 : i32 to index
      %swap3A_434 = arith.constant 48 : index
      %swap3A_435 = tpu.vector_load %arg10[%swap3A_433, %swap3A_434] {strides = array<i32>} : memref<4x128xi32, #tpu.memory_space<vmem>>, vector<16xi32>,
      tpu.vector_store %arg10[%swap3A_433, %swap3A_434], %select_n3A_428 {strides = array<i32>} : memref<4x128xi32, #tpu.memory_space<vmem>>, vector<16xi32>,
      %swap3A_436 = arith.constant 1 : i32
      %swap3A_437 = arith.index_cast %swap3A_436 : i32 to index
      %swap3A_438 = arith.constant 48 : index
      %swap3A_439 = tpu.vector_load %arg11[%swap3A_437, %swap3A_438] {strides = array<i32>} : memref<4x128xf32, #tpu.memory_space<vmem>>, vector<16xf32>,
      tpu.vector_store %arg11[%swap3A_437, %swap3A_438], %select_n3A_431 {strides = array<i32>} : memref<4x128xf32, #tpu.memory_space<vmem>>, vector<16xf32>,
      %get3A_440 = arith.constant 192 : index
      %get3A_441 = tpu.vector_load %arg7[%get3A_440] {strides = array<i32>} : memref<512xi32, #tpu.memory_space<vmem>>, vector<16xi32>,
      %get3A_442 = arith.constant 192 : index
      %get3A_443 = tpu.vector_load %arg8[%get3A_442] {strides = array<i32>} : memref<512xi32, #tpu.memory_space<vmem>>, vector<16xi32>,
      %get3A_444 = arith.constant 192 : index
      %get3A_445 = tpu.vector_load %arg9[%get3A_444] {strides = array<i32>} : memref<512xf32, #tpu.memory_space<vmem>>, vector<16xf32>,
      %lt3A_446 = arith.constant 256 : i32
      %lt3A_447 = vector.broadcast %lt3A_446 : i32 to vector<16xi32>
      %lt3A_448 = arith.cmpi slt, %get3A_441, %lt3A_447 : vector<16xi32>
      %ge3A_449 = arith.constant 448 : i32
      %ge3A_450 = vector.broadcast %ge3A_449 : i32 to vector<16xi32>
      %ge3A_451 = arith.cmpi sge, %get3A_443, %ge3A_450 : vector<16xi32>
      %and3A_452 = arith.andi %lt3A_448, %ge3A_451 : vector<16xi1>
      %iota3A_453 = tpu.iota {dimensions = array<i32: 0>} : vector<16xi32>
      %add3A_454 = arith.constant 16448 : i32
      %add3A_455 = vector.broadcast %add3A_454 : i32 to vector<16xi32>
      %add3A_456 = arith.addi %add3A_455, %iota3A_453 : vector<16xi32>
      %mul3A_457 = arith.constant 64 : i32
      %mul3A_458 = vector.broadcast %mul3A_457 : i32 to vector<16xi32>
      %mul3A_459 = arith.muli %get3A_441, %mul3A_458 : vector<16xi32>
      %sub3A_460 = arith.constant 448 : i32
      %sub3A_461 = vector.broadcast %sub3A_460 : i32 to vector<16xi32>
      %sub3A_462 = arith.subi %get3A_443, %sub3A_461 : vector<16xi32>
      %add3A_463 = arith.addi %mul3A_459, %sub3A_462 : vector<16xi32>
      %select_n3A_464 = arith.select %and3A_452, %add3A_463, %add3A_456 : vector<16xi1>, vector<16xi32>
      %jit3A_465 = arith.constant 0.000000e+00 : f32
      %broadcast_in_dim3A_466 = vector.broadcast %jit3A_465 : f32 to vector<16xf32>
      %select_n3A_467 = arith.select %and3A_452, %get3A_445, %broadcast_in_dim3A_466 : vector<16xi1>, vector<16xf32>
      %swap3A_468 = arith.constant 1 : i32
      %swap3A_469 = arith.index_cast %swap3A_468 : i32 to index
      %swap3A_470 = arith.constant 64 : index
      %swap3A_471 = tpu.vector_load %arg10[%swap3A_469, %swap3A_470] {strides = array<i32>} : memref<4x128xi32, #tpu.memory_space<vmem>>, vector<16xi32>,
      tpu.vector_store %arg10[%swap3A_469, %swap3A_470], %select_n3A_464 {strides = array<i32>} : memref<4x128xi32, #tpu.memory_space<vmem>>, vector<16xi32>,
      %swap3A_472 = arith.constant 1 : i32
      %swap3A_473 = arith.index_cast %swap3A_472 : i32 to index
      %swap3A_474 = arith.constant 64 : index
      %swap3A_475 = tpu.vector_load %arg11[%swap3A_473, %swap3A_474] {strides = array<i32>} : memref<4x128xf32, #tpu.memory_space<vmem>>, vector<16xf32>,
      tpu.vector_store %arg11[%swap3A_473, %swap3A_474], %select_n3A_467 {strides = array<i32>} : memref<4x128xf32, #tpu.memory_space<vmem>>, vector<16xf32>,
      %get3A_476 = arith.constant 208 : index
      %get3A_477 = tpu.vector_load %arg7[%get3A_476] {strides = array<i32>} : memref<512xi32, #tpu.memory_space<vmem>>, vector<16xi32>,
      %get3A_478 = arith.constant 208 : index
      %get3A_479 = tpu.vector_load %arg8[%get3A_478] {strides = array<i32>} : memref<512xi32, #tpu.memory_space<vmem>>, vector<16xi32>,
      %get3A_480 = arith.constant 208 : index
      %get3A_481 = tpu.vector_load %arg9[%get3A_480] {strides = array<i32>} : memref<512xf32, #tpu.memory_space<vmem>>, vector<16xf32>,
      %lt3A_482 = arith.constant 256 : i32
      %lt3A_483 = vector.broadcast %lt3A_482 : i32 to vector<16xi32>
      %lt3A_484 = arith.cmpi slt, %get3A_477, %lt3A_483 : vector<16xi32>
      %ge3A_485 = arith.constant 448 : i32
      %ge3A_486 = vector.broadcast %ge3A_485 : i32 to vector<16xi32>
      %ge3A_487 = arith.cmpi sge, %get3A_479, %ge3A_486 : vector<16xi32>
      %and3A_488 = arith.andi %lt3A_484, %ge3A_487 : vector<16xi1>
      %iota3A_489 = tpu.iota {dimensions = array<i32: 0>} : vector<16xi32>
      %add3A_490 = arith.constant 16464 : i32
      %add3A_491 = vector.broadcast %add3A_490 : i32 to vector<16xi32>
      %add3A_492 = arith.addi %add3A_491, %iota3A_489 : vector<16xi32>
      %mul3A_493 = arith.constant 64 : i32
      %mul3A_494 = vector.broadcast %mul3A_493 : i32 to vector<16xi32>
      %mul3A_495 = arith.muli %get3A_477, %mul3A_494 : vector<16xi32>
      %sub3A_496 = arith.constant 448 : i32
      %sub3A_497 = vector.broadcast %sub3A_496 : i32 to vector<16xi32>
      %sub3A_498 = arith.subi %get3A_479, %sub3A_497 : vector<16xi32>
      %add3A_499 = arith.addi %mul3A_495, %sub3A_498 : vector<16xi32>
      %select_n3A_500 = arith.select %and3A_488, %add3A_499, %add3A_492 : vector<16xi1>, vector<16xi32>
      %jit3A_501 = arith.constant 0.000000e+00 : f32
      %broadcast_in_dim3A_502 = vector.broadcast %jit3A_501 : f32 to vector<16xf32>
      %select_n3A_503 = arith.select %and3A_488, %get3A_481, %broadcast_in_dim3A_502 : vector<16xi1>, vector<16xf32>
      %swap3A_504 = arith.constant 1 : i32
      %swap3A_505 = arith.index_cast %swap3A_504 : i32 to index
      %swap3A_506 = arith.constant 80 : index
      %swap3A_507 = tpu.vector_load %arg10[%swap3A_505, %swap3A_506] {strides = array<i32>} : memref<4x128xi32, #tpu.memory_space<vmem>>, vector<16xi32>,
      tpu.vector_store %arg10[%swap3A_505, %swap3A_506], %select_n3A_500 {strides = array<i32>} : memref<4x128xi32, #tpu.memory_space<vmem>>, vector<16xi32>,
      %swap3A_508 = arith.constant 1 : i32
      %swap3A_509 = arith.index_cast %swap3A_508 : i32 to index
      %swap3A_510 = arith.constant 80 : index
      %swap3A_511 = tpu.vector_load %arg11[%swap3A_509, %swap3A_510] {strides = array<i32>} : memref<4x128xf32, #tpu.memory_space<vmem>>, vector<16xf32>,
      tpu.vector_store %arg11[%swap3A_509, %swap3A_510], %select_n3A_503 {strides = array<i32>} : memref<4x128xf32, #tpu.memory_space<vmem>>, vector<16xf32>,
      %get3A_512 = arith.constant 224 : index
      %get3A_513 = tpu.vector_load %arg7[%get3A_512] {strides = array<i32>} : memref<512xi32, #tpu.memory_space<vmem>>, vector<16xi32>,
      %get3A_514 = arith.constant 224 : index
      %get3A_515 = tpu.vector_load %arg8[%get3A_514] {strides = array<i32>} : memref<512xi32, #tpu.memory_space<vmem>>, vector<16xi32>,
      %get3A_516 = arith.constant 224 : index
      %get3A_517 = tpu.vector_load %arg9[%get3A_516] {strides = array<i32>} : memref<512xf32, #tpu.memory_space<vmem>>, vector<16xf32>,
      %lt3A_518 = arith.constant 256 : i32
      %lt3A_519 = vector.broadcast %lt3A_518 : i32 to vector<16xi32>
      %lt3A_520 = arith.cmpi slt, %get3A_513, %lt3A_519 : vector<16xi32>
      %ge3A_521 = arith.constant 448 : i32
      %ge3A_522 = vector.broadcast %ge3A_521 : i32 to vector<16xi32>
      %ge3A_523 = arith.cmpi sge, %get3A_515, %ge3A_522 : vector<16xi32>
      %and3A_524 = arith.andi %lt3A_520, %ge3A_523 : vector<16xi1>
      %iota3A_525 = tpu.iota {dimensions = array<i32: 0>} : vector<16xi32>
      %add3A_526 = arith.constant 16480 : i32
      %add3A_527 = vector.broadcast %add3A_526 : i32 to vector<16xi32>
      %add3A_528 = arith.addi %add3A_527, %iota3A_525 : vector<16xi32>
      %mul3A_529 = arith.constant 64 : i32
      %mul3A_530 = vector.broadcast %mul3A_529 : i32 to vector<16xi32>
      %mul3A_531 = arith.muli %get3A_513, %mul3A_530 : vector<16xi32>
      %sub3A_532 = arith.constant 448 : i32
      %sub3A_533 = vector.broadcast %sub3A_532 : i32 to vector<16xi32>
      %sub3A_534 = arith.subi %get3A_515, %sub3A_533 : vector<16xi32>
      %add3A_535 = arith.addi %mul3A_531, %sub3A_534 : vector<16xi32>
      %select_n3A_536 = arith.select %and3A_524, %add3A_535, %add3A_528 : vector<16xi1>, vector<16xi32>
      %jit3A_537 = arith.constant 0.000000e+00 : f32
      %broadcast_in_dim3A_538 = vector.broadcast %jit3A_537 : f32 to vector<16xf32>
      %select_n3A_539 = arith.select %and3A_524, %get3A_517, %broadcast_in_dim3A_538 : vector<16xi1>, vector<16xf32>
      %swap3A_540 = arith.constant 1 : i32
      %swap3A_541 = arith.index_cast %swap3A_540 : i32 to index
      %swap3A_542 = arith.constant 96 : index
      %swap3A_543 = tpu.vector_load %arg10[%swap3A_541, %swap3A_542] {strides = array<i32>} : memref<4x128xi32, #tpu.memory_space<vmem>>, vector<16xi32>,
      tpu.vector_store %arg10[%swap3A_541, %swap3A_542], %select_n3A_536 {strides = array<i32>} : memref<4x128xi32, #tpu.memory_space<vmem>>, vector<16xi32>,
      %swap3A_544 = arith.constant 1 : i32
      %swap3A_545 = arith.index_cast %swap3A_544 : i32 to index
      %swap3A_546 = arith.constant 96 : index
      %swap3A_547 = tpu.vector_load %arg11[%swap3A_545, %swap3A_546] {strides = array<i32>} : memref<4x128xf32, #tpu.memory_space<vmem>>, vector<16xf32>,
      tpu.vector_store %arg11[%swap3A_545, %swap3A_546], %select_n3A_539 {strides = array<i32>} : memref<4x128xf32, #tpu.memory_space<vmem>>, vector<16xf32>,
      %get3A_548 = arith.constant 240 : index
      %get3A_549 = tpu.vector_load %arg7[%get3A_548] {strides = array<i32>} : memref<512xi32, #tpu.memory_space<vmem>>, vector<16xi32>,
      %get3A_550 = arith.constant 240 : index
      %get3A_551 = tpu.vector_load %arg8[%get3A_550] {strides = array<i32>} : memref<512xi32, #tpu.memory_space<vmem>>, vector<16xi32>,
      %get3A_552 = arith.constant 240 : index
      %get3A_553 = tpu.vector_load %arg9[%get3A_552] {strides = array<i32>} : memref<512xf32, #tpu.memory_space<vmem>>, vector<16xf32>,
      %lt3A_554 = arith.constant 256 : i32
      %lt3A_555 = vector.broadcast %lt3A_554 : i32 to vector<16xi32>
      %lt3A_556 = arith.cmpi slt, %get3A_549, %lt3A_555 : vector<16xi32>
      %ge3A_557 = arith.constant 448 : i32
      %ge3A_558 = vector.broadcast %ge3A_557 : i32 to vector<16xi32>
      %ge3A_559 = arith.cmpi sge, %get3A_551, %ge3A_558 : vector<16xi32>
      %and3A_560 = arith.andi %lt3A_556, %ge3A_559 : vector<16xi1>
      %iota3A_561 = tpu.iota {dimensions = array<i32: 0>} : vector<16xi32>
      %add3A_562 = arith.constant 16496 : i32
      %add3A_563 = vector.broadcast %add3A_562 : i32 to vector<16xi32>
      %add3A_564 = arith.addi %add3A_563, %iota3A_561 : vector<16xi32>
      %mul3A_565 = arith.constant 64 : i32
      %mul3A_566 = vector.broadcast %mul3A_565 : i32 to vector<16xi32>
      %mul3A_567 = arith.muli %get3A_549, %mul3A_566 : vector<16xi32>
      %sub3A_568 = arith.constant 448 : i32
      %sub3A_569 = vector.broadcast %sub3A_568 : i32 to vector<16xi32>
      %sub3A_570 = arith.subi %get3A_551, %sub3A_569 : vector<16xi32>
      %add3A_571 = arith.addi %mul3A_567, %sub3A_570 : vector<16xi32>
      %select_n3A_572 = arith.select %and3A_560, %add3A_571, %add3A_564 : vector<16xi1>, vector<16xi32>
      %jit3A_573 = arith.constant 0.000000e+00 : f32
      %broadcast_in_dim3A_574 = vector.broadcast %jit3A_573 : f32 to vector<16xf32>
      %select_n3A_575 = arith.select %and3A_560, %get3A_553, %broadcast_in_dim3A_574 : vector<16xi1>, vector<16xf32>
      %swap3A_576 = arith.constant 1 : i32
      %swap3A_577 = arith.index_cast %swap3A_576 : i32 to index
      %swap3A_578 = arith.constant 112 : index
      %swap3A_579 = tpu.vector_load %arg10[%swap3A_577, %swap3A_578] {strides = array<i32>} : memref<4x128xi32, #tpu.memory_space<vmem>>, vector<16xi32>,
      tpu.vector_store %arg10[%swap3A_577, %swap3A_578], %select_n3A_572 {strides = array<i32>} : memref<4x128xi32, #tpu.memory_space<vmem>>, vector<16xi32>,
      %swap3A_580 = arith.constant 1 : i32
      %swap3A_581 = arith.index_cast %swap3A_580 : i32 to index
      %swap3A_582 = arith.constant 112 : index
      %swap3A_583 = tpu.vector_load %arg11[%swap3A_581, %swap3A_582] {strides = array<i32>} : memref<4x128xf32, #tpu.memory_space<vmem>>, vector<16xf32>,
      tpu.vector_store %arg11[%swap3A_581, %swap3A_582], %select_n3A_575 {strides = array<i32>} : memref<4x128xf32, #tpu.memory_space<vmem>>, vector<16xf32>,
      %get3A_584 = arith.constant 256 : index
      %get3A_585 = tpu.vector_load %arg7[%get3A_584] {strides = array<i32>} : memref<512xi32, #tpu.memory_space<vmem>>, vector<16xi32>,
      %get3A_586 = arith.constant 256 : index
      %get3A_587 = tpu.vector_load %arg8[%get3A_586] {strides = array<i32>} : memref<512xi32, #tpu.memory_space<vmem>>, vector<16xi32>,
      %get3A_588 = arith.constant 256 : index
      %get3A_589 = tpu.vector_load %arg9[%get3A_588] {strides = array<i32>} : memref<512xf32, #tpu.memory_space<vmem>>, vector<16xf32>,
      %lt3A_590 = arith.constant 256 : i32
      %lt3A_591 = vector.broadcast %lt3A_590 : i32 to vector<16xi32>
      %lt3A_592 = arith.cmpi slt, %get3A_585, %lt3A_591 : vector<16xi32>
      %ge3A_593 = arith.constant 448 : i32
      %ge3A_594 = vector.broadcast %ge3A_593 : i32 to vector<16xi32>
      %ge3A_595 = arith.cmpi sge, %get3A_587, %ge3A_594 : vector<16xi32>
      %and3A_596 = arith.andi %lt3A_592, %ge3A_595 : vector<16xi1>
      %iota3A_597 = tpu.iota {dimensions = array<i32: 0>} : vector<16xi32>
      %add3A_598 = arith.constant 16384 : i32
      %add3A_599 = vector.broadcast %add3A_598 : i32 to vector<16xi32>
      %add3A_600 = arith.addi %add3A_599, %iota3A_597 : vector<16xi32>
      %mul3A_601 = arith.constant 64 : i32
      %mul3A_602 = vector.broadcast %mul3A_601 : i32 to vector<16xi32>
      %mul3A_603 = arith.muli %get3A_585, %mul3A_602 : vector<16xi32>
      %sub3A_604 = arith.constant 448 : i32
      %sub3A_605 = vector.broadcast %sub3A_604 : i32 to vector<16xi32>
      %sub3A_606 = arith.subi %get3A_587, %sub3A_605 : vector<16xi32>
      %add3A_607 = arith.addi %mul3A_603, %sub3A_606 : vector<16xi32>
      %select_n3A_608 = arith.select %and3A_596, %add3A_607, %add3A_600 : vector<16xi1>, vector<16xi32>
      %jit3A_609 = arith.constant 0.000000e+00 : f32
      %broadcast_in_dim3A_610 = vector.broadcast %jit3A_609 : f32 to vector<16xf32>
      %select_n3A_611 = arith.select %and3A_596, %get3A_589, %broadcast_in_dim3A_610 : vector<16xi1>, vector<16xf32>
      %swap3A_612 = arith.constant 2 : i32
      %swap3A_613 = arith.index_cast %swap3A_612 : i32 to index
      %swap3A_614 = arith.constant 0 : index
      %swap3A_615 = tpu.vector_load %arg10[%swap3A_613, %swap3A_614] {strides = array<i32>} : memref<4x128xi32, #tpu.memory_space<vmem>>, vector<16xi32>,
      tpu.vector_store %arg10[%swap3A_613, %swap3A_614], %select_n3A_608 {strides = array<i32>} : memref<4x128xi32, #tpu.memory_space<vmem>>, vector<16xi32>,
      %swap3A_616 = arith.constant 2 : i32
      %swap3A_617 = arith.index_cast %swap3A_616 : i32 to index
      %swap3A_618 = arith.constant 0 : index
      %swap3A_619 = tpu.vector_load %arg11[%swap3A_617, %swap3A_618] {strides = array<i32>} : memref<4x128xf32, #tpu.memory_space<vmem>>, vector<16xf32>,
      tpu.vector_store %arg11[%swap3A_617, %swap3A_618], %select_n3A_611 {strides = array<i32>} : memref<4x128xf32, #tpu.memory_space<vmem>>, vector<16xf32>,
      %get3A_620 = arith.constant 272 : index
      %get3A_621 = tpu.vector_load %arg7[%get3A_620] {strides = array<i32>} : memref<512xi32, #tpu.memory_space<vmem>>, vector<16xi32>,
      %get3A_622 = arith.constant 272 : index
      %get3A_623 = tpu.vector_load %arg8[%get3A_622] {strides = array<i32>} : memref<512xi32, #tpu.memory_space<vmem>>, vector<16xi32>,
      %get3A_624 = arith.constant 272 : index
      %get3A_625 = tpu.vector_load %arg9[%get3A_624] {strides = array<i32>} : memref<512xf32, #tpu.memory_space<vmem>>, vector<16xf32>,
      %lt3A_626 = arith.constant 256 : i32
      %lt3A_627 = vector.broadcast %lt3A_626 : i32 to vector<16xi32>
      %lt3A_628 = arith.cmpi slt, %get3A_621, %lt3A_627 : vector<16xi32>
      %ge3A_629 = arith.constant 448 : i32
      %ge3A_630 = vector.broadcast %ge3A_629 : i32 to vector<16xi32>
      %ge3A_631 = arith.cmpi sge, %get3A_623, %ge3A_630 : vector<16xi32>
      %and3A_632 = arith.andi %lt3A_628, %ge3A_631 : vector<16xi1>
      %iota3A_633 = tpu.iota {dimensions = array<i32: 0>} : vector<16xi32>
      %add3A_634 = arith.constant 16400 : i32
      %add3A_635 = vector.broadcast %add3A_634 : i32 to vector<16xi32>
      %add3A_636 = arith.addi %add3A_635, %iota3A_633 : vector<16xi32>
      %mul3A_637 = arith.constant 64 : i32
      %mul3A_638 = vector.broadcast %mul3A_637 : i32 to vector<16xi32>
      %mul3A_639 = arith.muli %get3A_621, %mul3A_638 : vector<16xi32>
      %sub3A_640 = arith.constant 448 : i32
      %sub3A_641 = vector.broadcast %sub3A_640 : i32 to vector<16xi32>
      %sub3A_642 = arith.subi %get3A_623, %sub3A_641 : vector<16xi32>
      %add3A_643 = arith.addi %mul3A_639, %sub3A_642 : vector<16xi32>
      %select_n3A_644 = arith.select %and3A_632, %add3A_643, %add3A_636 : vector<16xi1>, vector<16xi32>
      %jit3A_645 = arith.constant 0.000000e+00 : f32
      %broadcast_in_dim3A_646 = vector.broadcast %jit3A_645 : f32 to vector<16xf32>
      %select_n3A_647 = arith.select %and3A_632, %get3A_625, %broadcast_in_dim3A_646 : vector<16xi1>, vector<16xf32>
      %swap3A_648 = arith.constant 2 : i32
      %swap3A_649 = arith.index_cast %swap3A_648 : i32 to index
      %swap3A_650 = arith.constant 16 : index
      %swap3A_651 = tpu.vector_load %arg10[%swap3A_649, %swap3A_650] {strides = array<i32>} : memref<4x128xi32, #tpu.memory_space<vmem>>, vector<16xi32>,
      tpu.vector_store %arg10[%swap3A_649, %swap3A_650], %select_n3A_644 {strides = array<i32>} : memref<4x128xi32, #tpu.memory_space<vmem>>, vector<16xi32>,
      %swap3A_652 = arith.constant 2 : i32
      %swap3A_653 = arith.index_cast %swap3A_652 : i32 to index
      %swap3A_654 = arith.constant 16 : index
      %swap3A_655 = tpu.vector_load %arg11[%swap3A_653, %swap3A_654] {strides = array<i32>} : memref<4x128xf32, #tpu.memory_space<vmem>>, vector<16xf32>,
      tpu.vector_store %arg11[%swap3A_653, %swap3A_654], %select_n3A_647 {strides = array<i32>} : memref<4x128xf32, #tpu.memory_space<vmem>>, vector<16xf32>,
      %get3A_656 = arith.constant 288 : index
      %get3A_657 = tpu.vector_load %arg7[%get3A_656] {strides = array<i32>} : memref<512xi32, #tpu.memory_space<vmem>>, vector<16xi32>,
      %get3A_658 = arith.constant 288 : index
      %get3A_659 = tpu.vector_load %arg8[%get3A_658] {strides = array<i32>} : memref<512xi32, #tpu.memory_space<vmem>>, vector<16xi32>,
      %get3A_660 = arith.constant 288 : index
      %get3A_661 = tpu.vector_load %arg9[%get3A_660] {strides = array<i32>} : memref<512xf32, #tpu.memory_space<vmem>>, vector<16xf32>,
      %lt3A_662 = arith.constant 256 : i32
      %lt3A_663 = vector.broadcast %lt3A_662 : i32 to vector<16xi32>
      %lt3A_664 = arith.cmpi slt, %get3A_657, %lt3A_663 : vector<16xi32>
      %ge3A_665 = arith.constant 448 : i32
      %ge3A_666 = vector.broadcast %ge3A_665 : i32 to vector<16xi32>
      %ge3A_667 = arith.cmpi sge, %get3A_659, %ge3A_666 : vector<16xi32>
      %and3A_668 = arith.andi %lt3A_664, %ge3A_667 : vector<16xi1>
      %iota3A_669 = tpu.iota {dimensions = array<i32: 0>} : vector<16xi32>
      %add3A_670 = arith.constant 16416 : i32
      %add3A_671 = vector.broadcast %add3A_670 : i32 to vector<16xi32>
      %add3A_672 = arith.addi %add3A_671, %iota3A_669 : vector<16xi32>
      %mul3A_673 = arith.constant 64 : i32
      %mul3A_674 = vector.broadcast %mul3A_673 : i32 to vector<16xi32>
      %mul3A_675 = arith.muli %get3A_657, %mul3A_674 : vector<16xi32>
      %sub3A_676 = arith.constant 448 : i32
      %sub3A_677 = vector.broadcast %sub3A_676 : i32 to vector<16xi32>
      %sub3A_678 = arith.subi %get3A_659, %sub3A_677 : vector<16xi32>
      %add3A_679 = arith.addi %mul3A_675, %sub3A_678 : vector<16xi32>
      %select_n3A_680 = arith.select %and3A_668, %add3A_679, %add3A_672 : vector<16xi1>, vector<16xi32>
      %jit3A_681 = arith.constant 0.000000e+00 : f32
      %broadcast_in_dim3A_682 = vector.broadcast %jit3A_681 : f32 to vector<16xf32>
      %select_n3A_683 = arith.select %and3A_668, %get3A_661, %broadcast_in_dim3A_682 : vector<16xi1>, vector<16xf32>
      %swap3A_684 = arith.constant 2 : i32
      %swap3A_685 = arith.index_cast %swap3A_684 : i32 to index
      %swap3A_686 = arith.constant 32 : index
      %swap3A_687 = tpu.vector_load %arg10[%swap3A_685, %swap3A_686] {strides = array<i32>} : memref<4x128xi32, #tpu.memory_space<vmem>>, vector<16xi32>,
      tpu.vector_store %arg10[%swap3A_685, %swap3A_686], %select_n3A_680 {strides = array<i32>} : memref<4x128xi32, #tpu.memory_space<vmem>>, vector<16xi32>,
      %swap3A_688 = arith.constant 2 : i32
      %swap3A_689 = arith.index_cast %swap3A_688 : i32 to index
      %swap3A_690 = arith.constant 32 : index
      %swap3A_691 = tpu.vector_load %arg11[%swap3A_689, %swap3A_690] {strides = array<i32>} : memref<4x128xf32, #tpu.memory_space<vmem>>, vector<16xf32>,
      tpu.vector_store %arg11[%swap3A_689, %swap3A_690], %select_n3A_683 {strides = array<i32>} : memref<4x128xf32, #tpu.memory_space<vmem>>, vector<16xf32>,
      %get3A_692 = arith.constant 304 : index
      %get3A_693 = tpu.vector_load %arg7[%get3A_692] {strides = array<i32>} : memref<512xi32, #tpu.memory_space<vmem>>, vector<16xi32>,
      %get3A_694 = arith.constant 304 : index
      %get3A_695 = tpu.vector_load %arg8[%get3A_694] {strides = array<i32>} : memref<512xi32, #tpu.memory_space<vmem>>, vector<16xi32>,
      %get3A_696 = arith.constant 304 : index
      %get3A_697 = tpu.vector_load %arg9[%get3A_696] {strides = array<i32>} : memref<512xf32, #tpu.memory_space<vmem>>, vector<16xf32>,
      %lt3A_698 = arith.constant 256 : i32
      %lt3A_699 = vector.broadcast %lt3A_698 : i32 to vector<16xi32>
      %lt3A_700 = arith.cmpi slt, %get3A_693, %lt3A_699 : vector<16xi32>
      %ge3A_701 = arith.constant 448 : i32
      %ge3A_702 = vector.broadcast %ge3A_701 : i32 to vector<16xi32>
      %ge3A_703 = arith.cmpi sge, %get3A_695, %ge3A_702 : vector<16xi32>
      %and3A_704 = arith.andi %lt3A_700, %ge3A_703 : vector<16xi1>
      %iota3A_705 = tpu.iota {dimensions = array<i32: 0>} : vector<16xi32>
      %add3A_706 = arith.constant 16432 : i32
      %add3A_707 = vector.broadcast %add3A_706 : i32 to vector<16xi32>
      %add3A_708 = arith.addi %add3A_707, %iota3A_705 : vector<16xi32>
      %mul3A_709 = arith.constant 64 : i32
      %mul3A_710 = vector.broadcast %mul3A_709 : i32 to vector<16xi32>
      %mul3A_711 = arith.muli %get3A_693, %mul3A_710 : vector<16xi32>
      %sub3A_712 = arith.constant 448 : i32
      %sub3A_713 = vector.broadcast %sub3A_712 : i32 to vector<16xi32>
      %sub3A_714 = arith.subi %get3A_695, %sub3A_713 : vector<16xi32>
      %add3A_715 = arith.addi %mul3A_711, %sub3A_714 : vector<16xi32>
      %select_n3A_716 = arith.select %and3A_704, %add3A_715, %add3A_708 : vector<16xi1>, vector<16xi32>
      %jit3A_717 = arith.constant 0.000000e+00 : f32
      %broadcast_in_dim3A_718 = vector.broadcast %jit3A_717 : f32 to vector<16xf32>
      %select_n3A_719 = arith.select %and3A_704, %get3A_697, %broadcast_in_dim3A_718 : vector<16xi1>, vector<16xf32>
      %swap3A_720 = arith.constant 2 : i32
      %swap3A_721 = arith.index_cast %swap3A_720 : i32 to index
      %swap3A_722 = arith.constant 48 : index
      %swap3A_723 = tpu.vector_load %arg10[%swap3A_721, %swap3A_722] {strides = array<i32>} : memref<4x128xi32, #tpu.memory_space<vmem>>, vector<16xi32>,
      tpu.vector_store %arg10[%swap3A_721, %swap3A_722], %select_n3A_716 {strides = array<i32>} : memref<4x128xi32, #tpu.memory_space<vmem>>, vector<16xi32>,
      %swap3A_724 = arith.constant 2 : i32
      %swap3A_725 = arith.index_cast %swap3A_724 : i32 to index
      %swap3A_726 = arith.constant 48 : index
      %swap3A_727 = tpu.vector_load %arg11[%swap3A_725, %swap3A_726] {strides = array<i32>} : memref<4x128xf32, #tpu.memory_space<vmem>>, vector<16xf32>,
      tpu.vector_store %arg11[%swap3A_725, %swap3A_726], %select_n3A_719 {strides = array<i32>} : memref<4x128xf32, #tpu.memory_space<vmem>>, vector<16xf32>,
      %get3A_728 = arith.constant 320 : index
      %get3A_729 = tpu.vector_load %arg7[%get3A_728] {strides = array<i32>} : memref<512xi32, #tpu.memory_space<vmem>>, vector<16xi32>,
      %get3A_730 = arith.constant 320 : index
      %get3A_731 = tpu.vector_load %arg8[%get3A_730] {strides = array<i32>} : memref<512xi32, #tpu.memory_space<vmem>>, vector<16xi32>,
      %get3A_732 = arith.constant 320 : index
      %get3A_733 = tpu.vector_load %arg9[%get3A_732] {strides = array<i32>} : memref<512xf32, #tpu.memory_space<vmem>>, vector<16xf32>,
      %lt3A_734 = arith.constant 256 : i32
      %lt3A_735 = vector.broadcast %lt3A_734 : i32 to vector<16xi32>
      %lt3A_736 = arith.cmpi slt, %get3A_729, %lt3A_735 : vector<16xi32>
      %ge3A_737 = arith.constant 448 : i32
      %ge3A_738 = vector.broadcast %ge3A_737 : i32 to vector<16xi32>
      %ge3A_739 = arith.cmpi sge, %get3A_731, %ge3A_738 : vector<16xi32>
      %and3A_740 = arith.andi %lt3A_736, %ge3A_739 : vector<16xi1>
      %iota3A_741 = tpu.iota {dimensions = array<i32: 0>} : vector<16xi32>
      %add3A_742 = arith.constant 16448 : i32
      %add3A_743 = vector.broadcast %add3A_742 : i32 to vector<16xi32>
      %add3A_744 = arith.addi %add3A_743, %iota3A_741 : vector<16xi32>
      %mul3A_745 = arith.constant 64 : i32
      %mul3A_746 = vector.broadcast %mul3A_745 : i32 to vector<16xi32>
      %mul3A_747 = arith.muli %get3A_729, %mul3A_746 : vector<16xi32>
      %sub3A_748 = arith.constant 448 : i32
      %sub3A_749 = vector.broadcast %sub3A_748 : i32 to vector<16xi32>
      %sub3A_750 = arith.subi %get3A_731, %sub3A_749 : vector<16xi32>
      %add3A_751 = arith.addi %mul3A_747, %sub3A_750 : vector<16xi32>
      %select_n3A_752 = arith.select %and3A_740, %add3A_751, %add3A_744 : vector<16xi1>, vector<16xi32>
      %jit3A_753 = arith.constant 0.000000e+00 : f32
      %broadcast_in_dim3A_754 = vector.broadcast %jit3A_753 : f32 to vector<16xf32>
      %select_n3A_755 = arith.select %and3A_740, %get3A_733, %broadcast_in_dim3A_754 : vector<16xi1>, vector<16xf32>
      %swap3A_756 = arith.constant 2 : i32
      %swap3A_757 = arith.index_cast %swap3A_756 : i32 to index
      %swap3A_758 = arith.constant 64 : index
      %swap3A_759 = tpu.vector_load %arg10[%swap3A_757, %swap3A_758] {strides = array<i32>} : memref<4x128xi32, #tpu.memory_space<vmem>>, vector<16xi32>,
      tpu.vector_store %arg10[%swap3A_757, %swap3A_758], %select_n3A_752 {strides = array<i32>} : memref<4x128xi32, #tpu.memory_space<vmem>>, vector<16xi32>,
      %swap3A_760 = arith.constant 2 : i32
      %swap3A_761 = arith.index_cast %swap3A_760 : i32 to index
      %swap3A_762 = arith.constant 64 : index
      %swap3A_763 = tpu.vector_load %arg11[%swap3A_761, %swap3A_762] {strides = array<i32>} : memref<4x128xf32, #tpu.memory_space<vmem>>, vector<16xf32>,
      tpu.vector_store %arg11[%swap3A_761, %swap3A_762], %select_n3A_755 {strides = array<i32>} : memref<4x128xf32, #tpu.memory_space<vmem>>, vector<16xf32>,
      %get3A_764 = arith.constant 336 : index
      %get3A_765 = tpu.vector_load %arg7[%get3A_764] {strides = array<i32>} : memref<512xi32, #tpu.memory_space<vmem>>, vector<16xi32>,
      %get3A_766 = arith.constant 336 : index
      %get3A_767 = tpu.vector_load %arg8[%get3A_766] {strides = array<i32>} : memref<512xi32, #tpu.memory_space<vmem>>, vector<16xi32>,
      %get3A_768 = arith.constant 336 : index
      %get3A_769 = tpu.vector_load %arg9[%get3A_768] {strides = array<i32>} : memref<512xf32, #tpu.memory_space<vmem>>, vector<16xf32>,
      %lt3A_770 = arith.constant 256 : i32
      %lt3A_771 = vector.broadcast %lt3A_770 : i32 to vector<16xi32>
      %lt3A_772 = arith.cmpi slt, %get3A_765, %lt3A_771 : vector<16xi32>
      %ge3A_773 = arith.constant 448 : i32
      %ge3A_774 = vector.broadcast %ge3A_773 : i32 to vector<16xi32>
      %ge3A_775 = arith.cmpi sge, %get3A_767, %ge3A_774 : vector<16xi32>
      %and3A_776 = arith.andi %lt3A_772, %ge3A_775 : vector<16xi1>
      %iota3A_777 = tpu.iota {dimensions = array<i32: 0>} : vector<16xi32>
      %add3A_778 = arith.constant 16464 : i32
      %add3A_779 = vector.broadcast %add3A_778 : i32 to vector<16xi32>
      %add3A_780 = arith.addi %add3A_779, %iota3A_777 : vector<16xi32>
      %mul3A_781 = arith.constant 64 : i32
      %mul3A_782 = vector.broadcast %mul3A_781 : i32 to vector<16xi32>
      %mul3A_783 = arith.muli %get3A_765, %mul3A_782 : vector<16xi32>
      %sub3A_784 = arith.constant 448 : i32
      %sub3A_785 = vector.broadcast %sub3A_784 : i32 to vector<16xi32>
      %sub3A_786 = arith.subi %get3A_767, %sub3A_785 : vector<16xi32>
      %add3A_787 = arith.addi %mul3A_783, %sub3A_786 : vector<16xi32>
      %select_n3A_788 = arith.select %and3A_776, %add3A_787, %add3A_780 : vector<16xi1>, vector<16xi32>
      %jit3A_789 = arith.constant 0.000000e+00 : f32
      %broadcast_in_dim3A_790 = vector.broadcast %jit3A_789 : f32 to vector<16xf32>
      %select_n3A_791 = arith.select %and3A_776, %get3A_769, %broadcast_in_dim3A_790 : vector<16xi1>, vector<16xf32>
      %swap3A_792 = arith.constant 2 : i32
      %swap3A_793 = arith.index_cast %swap3A_792 : i32 to index
      %swap3A_794 = arith.constant 80 : index
      %swap3A_795 = tpu.vector_load %arg10[%swap3A_793, %swap3A_794] {strides = array<i32>} : memref<4x128xi32, #tpu.memory_space<vmem>>, vector<16xi32>,
      tpu.vector_store %arg10[%swap3A_793, %swap3A_794], %select_n3A_788 {strides = array<i32>} : memref<4x128xi32, #tpu.memory_space<vmem>>, vector<16xi32>,
      %swap3A_796 = arith.constant 2 : i32
      %swap3A_797 = arith.index_cast %swap3A_796 : i32 to index
      %swap3A_798 = arith.constant 80 : index
      %swap3A_799 = tpu.vector_load %arg11[%swap3A_797, %swap3A_798] {strides = array<i32>} : memref<4x128xf32, #tpu.memory_space<vmem>>, vector<16xf32>,
      tpu.vector_store %arg11[%swap3A_797, %swap3A_798], %select_n3A_791 {strides = array<i32>} : memref<4x128xf32, #tpu.memory_space<vmem>>, vector<16xf32>,
      %get3A_800 = arith.constant 352 : index
      %get3A_801 = tpu.vector_load %arg7[%get3A_800] {strides = array<i32>} : memref<512xi32, #tpu.memory_space<vmem>>, vector<16xi32>,
      %get3A_802 = arith.constant 352 : index
      %get3A_803 = tpu.vector_load %arg8[%get3A_802] {strides = array<i32>} : memref<512xi32, #tpu.memory_space<vmem>>, vector<16xi32>,
      %get3A_804 = arith.constant 352 : index
      %get3A_805 = tpu.vector_load %arg9[%get3A_804] {strides = array<i32>} : memref<512xf32, #tpu.memory_space<vmem>>, vector<16xf32>,
      %lt3A_806 = arith.constant 256 : i32
      %lt3A_807 = vector.broadcast %lt3A_806 : i32 to vector<16xi32>
      %lt3A_808 = arith.cmpi slt, %get3A_801, %lt3A_807 : vector<16xi32>
      %ge3A_809 = arith.constant 448 : i32
      %ge3A_810 = vector.broadcast %ge3A_809 : i32 to vector<16xi32>
      %ge3A_811 = arith.cmpi sge, %get3A_803, %ge3A_810 : vector<16xi32>
      %and3A_812 = arith.andi %lt3A_808, %ge3A_811 : vector<16xi1>
      %iota3A_813 = tpu.iota {dimensions = array<i32: 0>} : vector<16xi32>
      %add3A_814 = arith.constant 16480 : i32
      %add3A_815 = vector.broadcast %add3A_814 : i32 to vector<16xi32>
      %add3A_816 = arith.addi %add3A_815, %iota3A_813 : vector<16xi32>
      %mul3A_817 = arith.constant 64 : i32
      %mul3A_818 = vector.broadcast %mul3A_817 : i32 to vector<16xi32>
      %mul3A_819 = arith.muli %get3A_801, %mul3A_818 : vector<16xi32>
      %sub3A_820 = arith.constant 448 : i32
      %sub3A_821 = vector.broadcast %sub3A_820 : i32 to vector<16xi32>
      %sub3A_822 = arith.subi %get3A_803, %sub3A_821 : vector<16xi32>
      %add3A_823 = arith.addi %mul3A_819, %sub3A_822 : vector<16xi32>
      %select_n3A_824 = arith.select %and3A_812, %add3A_823, %add3A_816 : vector<16xi1>, vector<16xi32>
      %jit3A_825 = arith.constant 0.000000e+00 : f32
      %broadcast_in_dim3A_826 = vector.broadcast %jit3A_825 : f32 to vector<16xf32>
      %select_n3A_827 = arith.select %and3A_812, %get3A_805, %broadcast_in_dim3A_826 : vector<16xi1>, vector<16xf32>
      %swap3A_828 = arith.constant 2 : i32
      %swap3A_829 = arith.index_cast %swap3A_828 : i32 to index
      %swap3A_830 = arith.constant 96 : index
      %swap3A_831 = tpu.vector_load %arg10[%swap3A_829, %swap3A_830] {strides = array<i32>} : memref<4x128xi32, #tpu.memory_space<vmem>>, vector<16xi32>,
      tpu.vector_store %arg10[%swap3A_829, %swap3A_830], %select_n3A_824 {strides = array<i32>} : memref<4x128xi32, #tpu.memory_space<vmem>>, vector<16xi32>,
      %swap3A_832 = arith.constant 2 : i32
      %swap3A_833 = arith.index_cast %swap3A_832 : i32 to index
      %swap3A_834 = arith.constant 96 : index
      %swap3A_835 = tpu.vector_load %arg11[%swap3A_833, %swap3A_834] {strides = array<i32>} : memref<4x128xf32, #tpu.memory_space<vmem>>, vector<16xf32>,
      tpu.vector_store %arg11[%swap3A_833, %swap3A_834], %select_n3A_827 {strides = array<i32>} : memref<4x128xf32, #tpu.memory_space<vmem>>, vector<16xf32>,
      %get3A_836 = arith.constant 368 : index
      %get3A_837 = tpu.vector_load %arg7[%get3A_836] {strides = array<i32>} : memref<512xi32, #tpu.memory_space<vmem>>, vector<16xi32>,
      %get3A_838 = arith.constant 368 : index
      %get3A_839 = tpu.vector_load %arg8[%get3A_838] {strides = array<i32>} : memref<512xi32, #tpu.memory_space<vmem>>, vector<16xi32>,
      %get3A_840 = arith.constant 368 : index
      %get3A_841 = tpu.vector_load %arg9[%get3A_840] {strides = array<i32>} : memref<512xf32, #tpu.memory_space<vmem>>, vector<16xf32>,
      %lt3A_842 = arith.constant 256 : i32
      %lt3A_843 = vector.broadcast %lt3A_842 : i32 to vector<16xi32>
      %lt3A_844 = arith.cmpi slt, %get3A_837, %lt3A_843 : vector<16xi32>
      %ge3A_845 = arith.constant 448 : i32
      %ge3A_846 = vector.broadcast %ge3A_845 : i32 to vector<16xi32>
      %ge3A_847 = arith.cmpi sge, %get3A_839, %ge3A_846 : vector<16xi32>
      %and3A_848 = arith.andi %lt3A_844, %ge3A_847 : vector<16xi1>
      %iota3A_849 = tpu.iota {dimensions = array<i32: 0>} : vector<16xi32>
      %add3A_850 = arith.constant 16496 : i32
      %add3A_851 = vector.broadcast %add3A_850 : i32 to vector<16xi32>
      %add3A_852 = arith.addi %add3A_851, %iota3A_849 : vector<16xi32>
      %mul3A_853 = arith.constant 64 : i32
      %mul3A_854 = vector.broadcast %mul3A_853 : i32 to vector<16xi32>
      %mul3A_855 = arith.muli %get3A_837, %mul3A_854 : vector<16xi32>
      %sub3A_856 = arith.constant 448 : i32
      %sub3A_857 = vector.broadcast %sub3A_856 : i32 to vector<16xi32>
      %sub3A_858 = arith.subi %get3A_839, %sub3A_857 : vector<16xi32>
      %add3A_859 = arith.addi %mul3A_855, %sub3A_858 : vector<16xi32>
      %select_n3A_860 = arith.select %and3A_848, %add3A_859, %add3A_852 : vector<16xi1>, vector<16xi32>
      %jit3A_861 = arith.constant 0.000000e+00 : f32
      %broadcast_in_dim3A_862 = vector.broadcast %jit3A_861 : f32 to vector<16xf32>
      %select_n3A_863 = arith.select %and3A_848, %get3A_841, %broadcast_in_dim3A_862 : vector<16xi1>, vector<16xf32>
      %swap3A_864 = arith.constant 2 : i32
      %swap3A_865 = arith.index_cast %swap3A_864 : i32 to index
      %swap3A_866 = arith.constant 112 : index
      %swap3A_867 = tpu.vector_load %arg10[%swap3A_865, %swap3A_866] {strides = array<i32>} : memref<4x128xi32, #tpu.memory_space<vmem>>, vector<16xi32>,
      tpu.vector_store %arg10[%swap3A_865, %swap3A_866], %select_n3A_860 {strides = array<i32>} : memref<4x128xi32, #tpu.memory_space<vmem>>, vector<16xi32>,
      %swap3A_868 = arith.constant 2 : i32
      %swap3A_869 = arith.index_cast %swap3A_868 : i32 to index
      %swap3A_870 = arith.constant 112 : index
      %swap3A_871 = tpu.vector_load %arg11[%swap3A_869, %swap3A_870] {strides = array<i32>} : memref<4x128xf32, #tpu.memory_space<vmem>>, vector<16xf32>,
      tpu.vector_store %arg11[%swap3A_869, %swap3A_870], %select_n3A_863 {strides = array<i32>} : memref<4x128xf32, #tpu.memory_space<vmem>>, vector<16xf32>,
      %get3A_872 = arith.constant 384 : index
      %get3A_873 = tpu.vector_load %arg7[%get3A_872] {strides = array<i32>} : memref<512xi32, #tpu.memory_space<vmem>>, vector<16xi32>,
      %get3A_874 = arith.constant 384 : index
      %get3A_875 = tpu.vector_load %arg8[%get3A_874] {strides = array<i32>} : memref<512xi32, #tpu.memory_space<vmem>>, vector<16xi32>,
      %get3A_876 = arith.constant 384 : index
      %get3A_877 = tpu.vector_load %arg9[%get3A_876] {strides = array<i32>} : memref<512xf32, #tpu.memory_space<vmem>>, vector<16xf32>,
      %lt3A_878 = arith.constant 256 : i32
      %lt3A_879 = vector.broadcast %lt3A_878 : i32 to vector<16xi32>
      %lt3A_880 = arith.cmpi slt, %get3A_873, %lt3A_879 : vector<16xi32>
      %ge3A_881 = arith.constant 448 : i32
      %ge3A_882 = vector.broadcast %ge3A_881 : i32 to vector<16xi32>
      %ge3A_883 = arith.cmpi sge, %get3A_875, %ge3A_882 : vector<16xi32>
      %and3A_884 = arith.andi %lt3A_880, %ge3A_883 : vector<16xi1>
      %iota3A_885 = tpu.iota {dimensions = array<i32: 0>} : vector<16xi32>
      %add3A_886 = arith.constant 16384 : i32
      %add3A_887 = vector.broadcast %add3A_886 : i32 to vector<16xi32>
      %add3A_888 = arith.addi %add3A_887, %iota3A_885 : vector<16xi32>
      %mul3A_889 = arith.constant 64 : i32
      %mul3A_890 = vector.broadcast %mul3A_889 : i32 to vector<16xi32>
      %mul3A_891 = arith.muli %get3A_873, %mul3A_890 : vector<16xi32>
      %sub3A_892 = arith.constant 448 : i32
      %sub3A_893 = vector.broadcast %sub3A_892 : i32 to vector<16xi32>
      %sub3A_894 = arith.subi %get3A_875, %sub3A_893 : vector<16xi32>
      %add3A_895 = arith.addi %mul3A_891, %sub3A_894 : vector<16xi32>
      %select_n3A_896 = arith.select %and3A_884, %add3A_895, %add3A_888 : vector<16xi1>, vector<16xi32>
      %jit3A_897 = arith.constant 0.000000e+00 : f32
      %broadcast_in_dim3A_898 = vector.broadcast %jit3A_897 : f32 to vector<16xf32>
      %select_n3A_899 = arith.select %and3A_884, %get3A_877, %broadcast_in_dim3A_898 : vector<16xi1>, vector<16xf32>
      %swap3A_900 = arith.constant 3 : i32
      %swap3A_901 = arith.index_cast %swap3A_900 : i32 to index
      %swap3A_902 = arith.constant 0 : index
      %swap3A_903 = tpu.vector_load %arg10[%swap3A_901, %swap3A_902] {strides = array<i32>} : memref<4x128xi32, #tpu.memory_space<vmem>>, vector<16xi32>,
      tpu.vector_store %arg10[%swap3A_901, %swap3A_902], %select_n3A_896 {strides = array<i32>} : memref<4x128xi32, #tpu.memory_space<vmem>>, vector<16xi32>,
      %swap3A_904 = arith.constant 3 : i32
      %swap3A_905 = arith.index_cast %swap3A_904 : i32 to index
      %swap3A_906 = arith.constant 0 : index
      %swap3A_907 = tpu.vector_load %arg11[%swap3A_905, %swap3A_906] {strides = array<i32>} : memref<4x128xf32, #tpu.memory_space<vmem>>, vector<16xf32>,
      tpu.vector_store %arg11[%swap3A_905, %swap3A_906], %select_n3A_899 {strides = array<i32>} : memref<4x128xf32, #tpu.memory_space<vmem>>, vector<16xf32>,
      %get3A_908 = arith.constant 400 : index
      %get3A_909 = tpu.vector_load %arg7[%get3A_908] {strides = array<i32>} : memref<512xi32, #tpu.memory_space<vmem>>, vector<16xi32>,
      %get3A_910 = arith.constant 400 : index
      %get3A_911 = tpu.vector_load %arg8[%get3A_910] {strides = array<i32>} : memref<512xi32, #tpu.memory_space<vmem>>, vector<16xi32>,
      %get3A_912 = arith.constant 400 : index
      %get3A_913 = tpu.vector_load %arg9[%get3A_912] {strides = array<i32>} : memref<512xf32, #tpu.memory_space<vmem>>, vector<16xf32>,
      %lt3A_914 = arith.constant 256 : i32
      %lt3A_915 = vector.broadcast %lt3A_914 : i32 to vector<16xi32>
      %lt3A_916 = arith.cmpi slt, %get3A_909, %lt3A_915 : vector<16xi32>
      %ge3A_917 = arith.constant 448 : i32
      %ge3A_918 = vector.broadcast %ge3A_917 : i32 to vector<16xi32>
      %ge3A_919 = arith.cmpi sge, %get3A_911, %ge3A_918 : vector<16xi32>
      %and3A_920 = arith.andi %lt3A_916, %ge3A_919 : vector<16xi1>
      %iota3A_921 = tpu.iota {dimensions = array<i32: 0>} : vector<16xi32>
      %add3A_922 = arith.constant 16400 : i32
      %add3A_923 = vector.broadcast %add3A_922 : i32 to vector<16xi32>
      %add3A_924 = arith.addi %add3A_923, %iota3A_921 : vector<16xi32>
      %mul3A_925 = arith.constant 64 : i32
      %mul3A_926 = vector.broadcast %mul3A_925 : i32 to vector<16xi32>
      %mul3A_927 = arith.muli %get3A_909, %mul3A_926 : vector<16xi32>
      %sub3A_928 = arith.constant 448 : i32
      %sub3A_929 = vector.broadcast %sub3A_928 : i32 to vector<16xi32>
      %sub3A_930 = arith.subi %get3A_911, %sub3A_929 : vector<16xi32>
      %add3A_931 = arith.addi %mul3A_927, %sub3A_930 : vector<16xi32>
      %select_n3A_932 = arith.select %and3A_920, %add3A_931, %add3A_924 : vector<16xi1>, vector<16xi32>
      %jit3A_933 = arith.constant 0.000000e+00 : f32
      %broadcast_in_dim3A_934 = vector.broadcast %jit3A_933 : f32 to vector<16xf32>
      %select_n3A_935 = arith.select %and3A_920, %get3A_913, %broadcast_in_dim3A_934 : vector<16xi1>, vector<16xf32>
      %swap3A_936 = arith.constant 3 : i32
      %swap3A_937 = arith.index_cast %swap3A_936 : i32 to index
      %swap3A_938 = arith.constant 16 : index
      %swap3A_939 = tpu.vector_load %arg10[%swap3A_937, %swap3A_938] {strides = array<i32>} : memref<4x128xi32, #tpu.memory_space<vmem>>, vector<16xi32>,
      tpu.vector_store %arg10[%swap3A_937, %swap3A_938], %select_n3A_932 {strides = array<i32>} : memref<4x128xi32, #tpu.memory_space<vmem>>, vector<16xi32>,
      %swap3A_940 = arith.constant 3 : i32
      %swap3A_941 = arith.index_cast %swap3A_940 : i32 to index
      %swap3A_942 = arith.constant 16 : index
      %swap3A_943 = tpu.vector_load %arg11[%swap3A_941, %swap3A_942] {strides = array<i32>} : memref<4x128xf32, #tpu.memory_space<vmem>>, vector<16xf32>,
      tpu.vector_store %arg11[%swap3A_941, %swap3A_942], %select_n3A_935 {strides = array<i32>} : memref<4x128xf32, #tpu.memory_space<vmem>>, vector<16xf32>,
      %get3A_944 = arith.constant 416 : index
      %get3A_945 = tpu.vector_load %arg7[%get3A_944] {strides = array<i32>} : memref<512xi32, #tpu.memory_space<vmem>>, vector<16xi32>,
      %get3A_946 = arith.constant 416 : index
      %get3A_947 = tpu.vector_load %arg8[%get3A_946] {strides = array<i32>} : memref<512xi32, #tpu.memory_space<vmem>>, vector<16xi32>,
      %get3A_948 = arith.constant 416 : index
      %get3A_949 = tpu.vector_load %arg9[%get3A_948] {strides = array<i32>} : memref<512xf32, #tpu.memory_space<vmem>>, vector<16xf32>,
      %lt3A_950 = arith.constant 256 : i32
      %lt3A_951 = vector.broadcast %lt3A_950 : i32 to vector<16xi32>
      %lt3A_952 = arith.cmpi slt, %get3A_945, %lt3A_951 : vector<16xi32>
      %ge3A_953 = arith.constant 448 : i32
      %ge3A_954 = vector.broadcast %ge3A_953 : i32 to vector<16xi32>
      %ge3A_955 = arith.cmpi sge, %get3A_947, %ge3A_954 : vector<16xi32>
      %and3A_956 = arith.andi %lt3A_952, %ge3A_955 : vector<16xi1>
      %iota3A_957 = tpu.iota {dimensions = array<i32: 0>} : vector<16xi32>
      %add3A_958 = arith.constant 16416 : i32
      %add3A_959 = vector.broadcast %add3A_958 : i32 to vector<16xi32>
      %add3A_960 = arith.addi %add3A_959, %iota3A_957 : vector<16xi32>
      %mul3A_961 = arith.constant 64 : i32
      %mul3A_962 = vector.broadcast %mul3A_961 : i32 to vector<16xi32>
      %mul3A_963 = arith.muli %get3A_945, %mul3A_962 : vector<16xi32>
      %sub3A_964 = arith.constant 448 : i32
      %sub3A_965 = vector.broadcast %sub3A_964 : i32 to vector<16xi32>
      %sub3A_966 = arith.subi %get3A_947, %sub3A_965 : vector<16xi32>
      %add3A_967 = arith.addi %mul3A_963, %sub3A_966 : vector<16xi32>
      %select_n3A_968 = arith.select %and3A_956, %add3A_967, %add3A_960 : vector<16xi1>, vector<16xi32>
      %jit3A_969 = arith.constant 0.000000e+00 : f32
      %broadcast_in_dim3A_970 = vector.broadcast %jit3A_969 : f32 to vector<16xf32>
      %select_n3A_971 = arith.select %and3A_956, %get3A_949, %broadcast_in_dim3A_970 : vector<16xi1>, vector<16xf32>
      %swap3A_972 = arith.constant 3 : i32
      %swap3A_973 = arith.index_cast %swap3A_972 : i32 to index
      %swap3A_974 = arith.constant 32 : index
      %swap3A_975 = tpu.vector_load %arg10[%swap3A_973, %swap3A_974] {strides = array<i32>} : memref<4x128xi32, #tpu.memory_space<vmem>>, vector<16xi32>,
      tpu.vector_store %arg10[%swap3A_973, %swap3A_974], %select_n3A_968 {strides = array<i32>} : memref<4x128xi32, #tpu.memory_space<vmem>>, vector<16xi32>,
      %swap3A_976 = arith.constant 3 : i32
      %swap3A_977 = arith.index_cast %swap3A_976 : i32 to index
      %swap3A_978 = arith.constant 32 : index
      %swap3A_979 = tpu.vector_load %arg11[%swap3A_977, %swap3A_978] {strides = array<i32>} : memref<4x128xf32, #tpu.memory_space<vmem>>, vector<16xf32>,
      tpu.vector_store %arg11[%swap3A_977, %swap3A_978], %select_n3A_971 {strides = array<i32>} : memref<4x128xf32, #tpu.memory_space<vmem>>, vector<16xf32>,
      %get3A_980 = arith.constant 432 : index
      %get3A_981 = tpu.vector_load %arg7[%get3A_980] {strides = array<i32>} : memref<512xi32, #tpu.memory_space<vmem>>, vector<16xi32>,
      %get3A_982 = arith.constant 432 : index
      %get3A_983 = tpu.vector_load %arg8[%get3A_982] {strides = array<i32>} : memref<512xi32, #tpu.memory_space<vmem>>, vector<16xi32>,
      %get3A_984 = arith.constant 432 : index
      %get3A_985 = tpu.vector_load %arg9[%get3A_984] {strides = array<i32>} : memref<512xf32, #tpu.memory_space<vmem>>, vector<16xf32>,
      %lt3A_986 = arith.constant 256 : i32
      %lt3A_987 = vector.broadcast %lt3A_986 : i32 to vector<16xi32>
      %lt3A_988 = arith.cmpi slt, %get3A_981, %lt3A_987 : vector<16xi32>
      %ge3A_989 = arith.constant 448 : i32
      %ge3A_990 = vector.broadcast %ge3A_989 : i32 to vector<16xi32>
      %ge3A_991 = arith.cmpi sge, %get3A_983, %ge3A_990 : vector<16xi32>
      %and3A_992 = arith.andi %lt3A_988, %ge3A_991 : vector<16xi1>
      %iota3A_993 = tpu.iota {dimensions = array<i32: 0>} : vector<16xi32>
      %add3A_994 = arith.constant 16432 : i32
      %add3A_995 = vector.broadcast %add3A_994 : i32 to vector<16xi32>
      %add3A_996 = arith.addi %add3A_995, %iota3A_993 : vector<16xi32>
      %mul3A_997 = arith.constant 64 : i32
      %mul3A_998 = vector.broadcast %mul3A_997 : i32 to vector<16xi32>
      %mul3A_999 = arith.muli %get3A_981, %mul3A_998 : vector<16xi32>
      %sub3A_1000 = arith.constant 448 : i32
      %sub3A_1001 = vector.broadcast %sub3A_1000 : i32 to vector<16xi32>
      %sub3A_1002 = arith.subi %get3A_983, %sub3A_1001 : vector<16xi32>
      %add3A_1003 = arith.addi %mul3A_999, %sub3A_1002 : vector<16xi32>
      %select_n3A_1004 = arith.select %and3A_992, %add3A_1003, %add3A_996 : vector<16xi1>, vector<16xi32>
      %jit3A_1005 = arith.constant 0.000000e+00 : f32
      %broadcast_in_dim3A_1006 = vector.broadcast %jit3A_1005 : f32 to vector<16xf32>
      %select_n3A_1007 = arith.select %and3A_992, %get3A_985, %broadcast_in_dim3A_1006 : vector<16xi1>, vector<16xf32>
      %swap3A_1008 = arith.constant 3 : i32
      %swap3A_1009 = arith.index_cast %swap3A_1008 : i32 to index
      %swap3A_1010 = arith.constant 48 : index
      %swap3A_1011 = tpu.vector_load %arg10[%swap3A_1009, %swap3A_1010] {strides = array<i32>} : memref<4x128xi32, #tpu.memory_space<vmem>>, vector<16xi32>,
      tpu.vector_store %arg10[%swap3A_1009, %swap3A_1010], %select_n3A_1004 {strides = array<i32>} : memref<4x128xi32, #tpu.memory_space<vmem>>, vector<16xi32>,
      %swap3A_1012 = arith.constant 3 : i32
      %swap3A_1013 = arith.index_cast %swap3A_1012 : i32 to index
      %swap3A_1014 = arith.constant 48 : index
      %swap3A_1015 = tpu.vector_load %arg11[%swap3A_1013, %swap3A_1014] {strides = array<i32>} : memref<4x128xf32, #tpu.memory_space<vmem>>, vector<16xf32>,
      tpu.vector_store %arg11[%swap3A_1013, %swap3A_1014], %select_n3A_1007 {strides = array<i32>} : memref<4x128xf32, #tpu.memory_space<vmem>>, vector<16xf32>,
      %get3A_1016 = arith.constant 448 : index
      %get3A_1017 = tpu.vector_load %arg7[%get3A_1016] {strides = array<i32>} : memref<512xi32, #tpu.memory_space<vmem>>, vector<16xi32>,
      %get3A_1018 = arith.constant 448 : index
      %get3A_1019 = tpu.vector_load %arg8[%get3A_1018] {strides = array<i32>} : memref<512xi32, #tpu.memory_space<vmem>>, vector<16xi32>,
      %get3A_1020 = arith.constant 448 : index
      %get3A_1021 = tpu.vector_load %arg9[%get3A_1020] {strides = array<i32>} : memref<512xf32, #tpu.memory_space<vmem>>, vector<16xf32>,
      %lt3A_1022 = arith.constant 256 : i32
      %lt3A_1023 = vector.broadcast %lt3A_1022 : i32 to vector<16xi32>
      %lt3A_1024 = arith.cmpi slt, %get3A_1017, %lt3A_1023 : vector<16xi32>
      %ge3A_1025 = arith.constant 448 : i32
      %ge3A_1026 = vector.broadcast %ge3A_1025 : i32 to vector<16xi32>
      %ge3A_1027 = arith.cmpi sge, %get3A_1019, %ge3A_1026 : vector<16xi32>
      %and3A_1028 = arith.andi %lt3A_1024, %ge3A_1027 : vector<16xi1>
      %iota3A_1029 = tpu.iota {dimensions = array<i32: 0>} : vector<16xi32>
      %add3A_1030 = arith.constant 16448 : i32
      %add3A_1031 = vector.broadcast %add3A_1030 : i32 to vector<16xi32>
      %add3A_1032 = arith.addi %add3A_1031, %iota3A_1029 : vector<16xi32>
      %mul3A_1033 = arith.constant 64 : i32
      %mul3A_1034 = vector.broadcast %mul3A_1033 : i32 to vector<16xi32>
      %mul3A_1035 = arith.muli %get3A_1017, %mul3A_1034 : vector<16xi32>
      %sub3A_1036 = arith.constant 448 : i32
      %sub3A_1037 = vector.broadcast %sub3A_1036 : i32 to vector<16xi32>
      %sub3A_1038 = arith.subi %get3A_1019, %sub3A_1037 : vector<16xi32>
      %add3A_1039 = arith.addi %mul3A_1035, %sub3A_1038 : vector<16xi32>
      %select_n3A_1040 = arith.select %and3A_1028, %add3A_1039, %add3A_1032 : vector<16xi1>, vector<16xi32>
      %jit3A_1041 = arith.constant 0.000000e+00 : f32
      %broadcast_in_dim3A_1042 = vector.broadcast %jit3A_1041 : f32 to vector<16xf32>
      %select_n3A_1043 = arith.select %and3A_1028, %get3A_1021, %broadcast_in_dim3A_1042 : vector<16xi1>, vector<16xf32>
      %swap3A_1044 = arith.constant 3 : i32
      %swap3A_1045 = arith.index_cast %swap3A_1044 : i32 to index
      %swap3A_1046 = arith.constant 64 : index
      %swap3A_1047 = tpu.vector_load %arg10[%swap3A_1045, %swap3A_1046] {strides = array<i32>} : memref<4x128xi32, #tpu.memory_space<vmem>>, vector<16xi32>,
      tpu.vector_store %arg10[%swap3A_1045, %swap3A_1046], %select_n3A_1040 {strides = array<i32>} : memref<4x128xi32, #tpu.memory_space<vmem>>, vector<16xi32>,
      %swap3A_1048 = arith.constant 3 : i32
      %swap3A_1049 = arith.index_cast %swap3A_1048 : i32 to index
      %swap3A_1050 = arith.constant 64 : index
      %swap3A_1051 = tpu.vector_load %arg11[%swap3A_1049, %swap3A_1050] {strides = array<i32>} : memref<4x128xf32, #tpu.memory_space<vmem>>, vector<16xf32>,
      tpu.vector_store %arg11[%swap3A_1049, %swap3A_1050], %select_n3A_1043 {strides = array<i32>} : memref<4x128xf32, #tpu.memory_space<vmem>>, vector<16xf32>,
      %get3A_1052 = arith.constant 464 : index
      %get3A_1053 = tpu.vector_load %arg7[%get3A_1052] {strides = array<i32>} : memref<512xi32, #tpu.memory_space<vmem>>, vector<16xi32>,
      %get3A_1054 = arith.constant 464 : index
      %get3A_1055 = tpu.vector_load %arg8[%get3A_1054] {strides = array<i32>} : memref<512xi32, #tpu.memory_space<vmem>>, vector<16xi32>,
      %get3A_1056 = arith.constant 464 : index
      %get3A_1057 = tpu.vector_load %arg9[%get3A_1056] {strides = array<i32>} : memref<512xf32, #tpu.memory_space<vmem>>, vector<16xf32>,
      %lt3A_1058 = arith.constant 256 : i32
      %lt3A_1059 = vector.broadcast %lt3A_1058 : i32 to vector<16xi32>
      %lt3A_1060 = arith.cmpi slt, %get3A_1053, %lt3A_1059 : vector<16xi32>
      %ge3A_1061 = arith.constant 448 : i32
      %ge3A_1062 = vector.broadcast %ge3A_1061 : i32 to vector<16xi32>
      %ge3A_1063 = arith.cmpi sge, %get3A_1055, %ge3A_1062 : vector<16xi32>
      %and3A_1064 = arith.andi %lt3A_1060, %ge3A_1063 : vector<16xi1>
      %iota3A_1065 = tpu.iota {dimensions = array<i32: 0>} : vector<16xi32>
      %add3A_1066 = arith.constant 16464 : i32
      %add3A_1067 = vector.broadcast %add3A_1066 : i32 to vector<16xi32>
      %add3A_1068 = arith.addi %add3A_1067, %iota3A_1065 : vector<16xi32>
      %mul3A_1069 = arith.constant 64 : i32
      %mul3A_1070 = vector.broadcast %mul3A_1069 : i32 to vector<16xi32>
      %mul3A_1071 = arith.muli %get3A_1053, %mul3A_1070 : vector<16xi32>
      %sub3A_1072 = arith.constant 448 : i32
      %sub3A_1073 = vector.broadcast %sub3A_1072 : i32 to vector<16xi32>
      %sub3A_1074 = arith.subi %get3A_1055, %sub3A_1073 : vector<16xi32>
      %add3A_1075 = arith.addi %mul3A_1071, %sub3A_1074 : vector<16xi32>
      %select_n3A_1076 = arith.select %and3A_1064, %add3A_1075, %add3A_1068 : vector<16xi1>, vector<16xi32>
      %jit3A_1077 = arith.constant 0.000000e+00 : f32
      %broadcast_in_dim3A_1078 = vector.broadcast %jit3A_1077 : f32 to vector<16xf32>
      %select_n3A_1079 = arith.select %and3A_1064, %get3A_1057, %broadcast_in_dim3A_1078 : vector<16xi1>, vector<16xf32>
      %swap3A_1080 = arith.constant 3 : i32
      %swap3A_1081 = arith.index_cast %swap3A_1080 : i32 to index
      %swap3A_1082 = arith.constant 80 : index
      %swap3A_1083 = tpu.vector_load %arg10[%swap3A_1081, %swap3A_1082] {strides = array<i32>} : memref<4x128xi32, #tpu.memory_space<vmem>>, vector<16xi32>,
      tpu.vector_store %arg10[%swap3A_1081, %swap3A_1082], %select_n3A_1076 {strides = array<i32>} : memref<4x128xi32, #tpu.memory_space<vmem>>, vector<16xi32>,
      %swap3A_1084 = arith.constant 3 : i32
      %swap3A_1085 = arith.index_cast %swap3A_1084 : i32 to index
      %swap3A_1086 = arith.constant 80 : index
      %swap3A_1087 = tpu.vector_load %arg11[%swap3A_1085, %swap3A_1086] {strides = array<i32>} : memref<4x128xf32, #tpu.memory_space<vmem>>, vector<16xf32>,
      tpu.vector_store %arg11[%swap3A_1085, %swap3A_1086], %select_n3A_1079 {strides = array<i32>} : memref<4x128xf32, #tpu.memory_space<vmem>>, vector<16xf32>,
      %get3A_1088 = arith.constant 480 : index
      %get3A_1089 = tpu.vector_load %arg7[%get3A_1088] {strides = array<i32>} : memref<512xi32, #tpu.memory_space<vmem>>, vector<16xi32>,
      %get3A_1090 = arith.constant 480 : index
      %get3A_1091 = tpu.vector_load %arg8[%get3A_1090] {strides = array<i32>} : memref<512xi32, #tpu.memory_space<vmem>>, vector<16xi32>,
      %get3A_1092 = arith.constant 480 : index
      %get3A_1093 = tpu.vector_load %arg9[%get3A_1092] {strides = array<i32>} : memref<512xf32, #tpu.memory_space<vmem>>, vector<16xf32>,
      %lt3A_1094 = arith.constant 256 : i32
      %lt3A_1095 = vector.broadcast %lt3A_1094 : i32 to vector<16xi32>
      %lt3A_1096 = arith.cmpi slt, %get3A_1089, %lt3A_1095 : vector<16xi32>
      %ge3A_1097 = arith.constant 448 : i32
      %ge3A_1098 = vector.broadcast %ge3A_1097 : i32 to vector<16xi32>
      %ge3A_1099 = arith.cmpi sge, %get3A_1091, %ge3A_1098 : vector<16xi32>
      %and3A_1100 = arith.andi %lt3A_1096, %ge3A_1099 : vector<16xi1>
      %iota3A_1101 = tpu.iota {dimensions = array<i32: 0>} : vector<16xi32>
      %add3A_1102 = arith.constant 16480 : i32
      %add3A_1103 = vector.broadcast %add3A_1102 : i32 to vector<16xi32>
      %add3A_1104 = arith.addi %add3A_1103, %iota3A_1101 : vector<16xi32>
      %mul3A_1105 = arith.constant 64 : i32
      %mul3A_1106 = vector.broadcast %mul3A_1105 : i32 to vector<16xi32>
      %mul3A_1107 = arith.muli %get3A_1089, %mul3A_1106 : vector<16xi32>
      %sub3A_1108 = arith.constant 448 : i32
      %sub3A_1109 = vector.broadcast %sub3A_1108 : i32 to vector<16xi32>
      %sub3A_1110 = arith.subi %get3A_1091, %sub3A_1109 : vector<16xi32>
      %add3A_1111 = arith.addi %mul3A_1107, %sub3A_1110 : vector<16xi32>
      %select_n3A_1112 = arith.select %and3A_1100, %add3A_1111, %add3A_1104 : vector<16xi1>, vector<16xi32>
      %jit3A_1113 = arith.constant 0.000000e+00 : f32
      %broadcast_in_dim3A_1114 = vector.broadcast %jit3A_1113 : f32 to vector<16xf32>
      %select_n3A_1115 = arith.select %and3A_1100, %get3A_1093, %broadcast_in_dim3A_1114 : vector<16xi1>, vector<16xf32>
      %swap3A_1116 = arith.constant 3 : i32
      %swap3A_1117 = arith.index_cast %swap3A_1116 : i32 to index
      %swap3A_1118 = arith.constant 96 : index
      %swap3A_1119 = tpu.vector_load %arg10[%swap3A_1117, %swap3A_1118] {strides = array<i32>} : memref<4x128xi32, #tpu.memory_space<vmem>>, vector<16xi32>,
      tpu.vector_store %arg10[%swap3A_1117, %swap3A_1118], %select_n3A_1112 {strides = array<i32>} : memref<4x128xi32, #tpu.memory_space<vmem>>, vector<16xi32>,
      %swap3A_1120 = arith.constant 3 : i32
      %swap3A_1121 = arith.index_cast %swap3A_1120 : i32 to index
      %swap3A_1122 = arith.constant 96 : index
      %swap3A_1123 = tpu.vector_load %arg11[%swap3A_1121, %swap3A_1122] {strides = array<i32>} : memref<4x128xf32, #tpu.memory_space<vmem>>, vector<16xf32>,
      tpu.vector_store %arg11[%swap3A_1121, %swap3A_1122], %select_n3A_1115 {strides = array<i32>} : memref<4x128xf32, #tpu.memory_space<vmem>>, vector<16xf32>,
      %get3A_1124 = arith.constant 496 : index
      %get3A_1125 = tpu.vector_load %arg7[%get3A_1124] {strides = array<i32>} : memref<512xi32, #tpu.memory_space<vmem>>, vector<16xi32>,
      %get3A_1126 = arith.constant 496 : index
      %get3A_1127 = tpu.vector_load %arg8[%get3A_1126] {strides = array<i32>} : memref<512xi32, #tpu.memory_space<vmem>>, vector<16xi32>,
      %get3A_1128 = arith.constant 496 : index
      %get3A_1129 = tpu.vector_load %arg9[%get3A_1128] {strides = array<i32>} : memref<512xf32, #tpu.memory_space<vmem>>, vector<16xf32>,
      %lt3A_1130 = arith.constant 256 : i32
      %lt3A_1131 = vector.broadcast %lt3A_1130 : i32 to vector<16xi32>
      %lt3A_1132 = arith.cmpi slt, %get3A_1125, %lt3A_1131 : vector<16xi32>
      %ge3A_1133 = arith.constant 448 : i32
      %ge3A_1134 = vector.broadcast %ge3A_1133 : i32 to vector<16xi32>
      %ge3A_1135 = arith.cmpi sge, %get3A_1127, %ge3A_1134 : vector<16xi32>
      %and3A_1136 = arith.andi %lt3A_1132, %ge3A_1135 : vector<16xi1>
      %iota3A_1137 = tpu.iota {dimensions = array<i32: 0>} : vector<16xi32>
      %add3A_1138 = arith.constant 16496 : i32
      %add3A_1139 = vector.broadcast %add3A_1138 : i32 to vector<16xi32>
      %add3A_1140 = arith.addi %add3A_1139, %iota3A_1137 : vector<16xi32>
      %mul3A_1141 = arith.constant 64 : i32
      %mul3A_1142 = vector.broadcast %mul3A_1141 : i32 to vector<16xi32>
      %mul3A_1143 = arith.muli %get3A_1125, %mul3A_1142 : vector<16xi32>
      %sub3A_1144 = arith.constant 448 : i32
      %sub3A_1145 = vector.broadcast %sub3A_1144 : i32 to vector<16xi32>
      %sub3A_1146 = arith.subi %get3A_1127, %sub3A_1145 : vector<16xi32>
      %add3A_1147 = arith.addi %mul3A_1143, %sub3A_1146 : vector<16xi32>
      %select_n3A_1148 = arith.select %and3A_1136, %add3A_1147, %add3A_1140 : vector<16xi1>, vector<16xi32>
      %jit3A_1149 = arith.constant 0.000000e+00 : f32
      %broadcast_in_dim3A_1150 = vector.broadcast %jit3A_1149 : f32 to vector<16xf32>
      %select_n3A_1151 = arith.select %and3A_1136, %get3A_1129, %broadcast_in_dim3A_1150 : vector<16xi1>, vector<16xf32>
      %swap3A_1152 = arith.constant 3 : i32
      %swap3A_1153 = arith.index_cast %swap3A_1152 : i32 to index
      %swap3A_1154 = arith.constant 112 : index
      %swap3A_1155 = tpu.vector_load %arg10[%swap3A_1153, %swap3A_1154] {strides = array<i32>} : memref<4x128xi32, #tpu.memory_space<vmem>>, vector<16xi32>,
      tpu.vector_store %arg10[%swap3A_1153, %swap3A_1154], %select_n3A_1148 {strides = array<i32>} : memref<4x128xi32, #tpu.memory_space<vmem>>, vector<16xi32>,
      %swap3A_1156 = arith.constant 3 : i32
      %swap3A_1157 = arith.index_cast %swap3A_1156 : i32 to index
      %swap3A_1158 = arith.constant 112 : index
      %swap3A_1159 = tpu.vector_load %arg11[%swap3A_1157, %swap3A_1158] {strides = array<i32>} : memref<4x128xf32, #tpu.memory_space<vmem>>, vector<16xf32>,
      tpu.vector_store %arg11[%swap3A_1157, %swap3A_1158], %select_n3A_1151 {strides = array<i32>} : memref<4x128xf32, #tpu.memory_space<vmem>>, vector<16xf32>,
      %dma_wait3A_1160 = tpu.memref_slice %arg12[%mul3A_11] : memref<16512xf32, #tpu.memory_space<vmem_shared>> -> memref<1024xf32, #tpu.memory_space<vmem_shared>>
      %dma_wait3A_1161 = tpu.memref_slice %arg5[%mul3A_9] : memref<16384xf32, #tpu.memory_space<hbm>> -> memref<1024xf32, #tpu.memory_space<hbm>>
      tpu.wait_dma2 semaphore(%arg14 : memref<!tpu.dma_semaphore, #tpu.memory_space<semaphore_mem>>) src(%dma_wait3A_1161 : memref<1024xf32, #tpu.memory_space<hbm>>) dst(%dma_wait3A_1160 : memref<1024xf32, #tpu.memory_space<vmem_shared>>)
      %barrier3A = arith.constant 0 : index
      tpu.barrier barrier_id(%barrier3A)
      %dma_start3A_1162 = arith.constant 0 : i32
      %dma_start3A_1163 = arith.constant 0 : i32
      %dma_start3A_1164 = arith.constant 0 : i32
      %dma_start3A_1165 = tpu.memref_slice %arg11[%dma_start3A_1162, %dma_start3A_1164] : memref<4x128xf32, #tpu.memory_space<vmem>> -> memref<1x128xf32, #tpu.memory_space<vmem>>
      %dma_start3A_1166 = tpu.memref_squeeze %dma_start3A_1165 : memref<1x128xf32, #tpu.memory_space<vmem>> -> memref<128xf32, #tpu.memory_space<vmem>>
      %dma_start3A_1167 = arith.constant 0 : i32
      %dma_start3A_1168 = tpu.memref_slice %arg10[%dma_start3A_1163, %dma_start3A_1167] : memref<4x128xi32, #tpu.memory_space<vmem>> -> memref<1x128xi32, #tpu.memory_space<vmem>>
      %dma_start3A_1169 = tpu.memref_squeeze %dma_start3A_1168 : memref<1x128xi32, #tpu.memory_space<vmem>> -> memref<128xi32, #tpu.memory_space<vmem>>
      %dma_start3A_1170 = arith.constant 0 : i32
      %dma_start3A_1171 = tpu.memref_slice %arg12[%dma_start3A_1170] : memref<16512xf32, #tpu.memory_space<vmem_shared>> -> memref<16512xf32, #tpu.memory_space<vmem_shared>>
      tpu.enqueue_indirect_dma source(%dma_start3A_1166 : memref<128xf32, #tpu.memory_space<vmem>>) target(%dma_start3A_1171 : memref<16512xf32, #tpu.memory_space<vmem_shared>>) offsets(%dma_start3A_1169 : memref<128xi32, #tpu.memory_space<vmem>>) semaphore(%arg15 : memref<!tpu.dma_semaphore, #tpu.memory_space<semaphore_mem>>) {add = true}
      %dma_start3A_1172 = arith.constant 1 : i32
      %dma_start3A_1173 = arith.constant 1 : i32
      %dma_start3A_1174 = arith.constant 0 : i32
      %dma_start3A_1175 = tpu.memref_slice %arg11[%dma_start3A_1172, %dma_start3A_1174] : memref<4x128xf32, #tpu.memory_space<vmem>> -> memref<1x128xf32, #tpu.memory_space<vmem>>
      %dma_start3A_1176 = tpu.memref_squeeze %dma_start3A_1175 : memref<1x128xf32, #tpu.memory_space<vmem>> -> memref<128xf32, #tpu.memory_space<vmem>>
      %dma_start3A_1177 = arith.constant 0 : i32
      %dma_start3A_1178 = tpu.memref_slice %arg10[%dma_start3A_1173, %dma_start3A_1177] : memref<4x128xi32, #tpu.memory_space<vmem>> -> memref<1x128xi32, #tpu.memory_space<vmem>>
      %dma_start3A_1179 = tpu.memref_squeeze %dma_start3A_1178 : memref<1x128xi32, #tpu.memory_space<vmem>> -> memref<128xi32, #tpu.memory_space<vmem>>
      %dma_start3A_1180 = arith.constant 0 : i32
      %dma_start3A_1181 = tpu.memref_slice %arg12[%dma_start3A_1180] : memref<16512xf32, #tpu.memory_space<vmem_shared>> -> memref<16512xf32, #tpu.memory_space<vmem_shared>>
      tpu.enqueue_indirect_dma source(%dma_start3A_1176 : memref<128xf32, #tpu.memory_space<vmem>>) target(%dma_start3A_1181 : memref<16512xf32, #tpu.memory_space<vmem_shared>>) offsets(%dma_start3A_1179 : memref<128xi32, #tpu.memory_space<vmem>>) semaphore(%arg15 : memref<!tpu.dma_semaphore, #tpu.memory_space<semaphore_mem>>) {add = true}
      %dma_start3A_1182 = arith.constant 2 : i32
      %dma_start3A_1183 = arith.constant 2 : i32
      %dma_start3A_1184 = arith.constant 0 : i32
      %dma_start3A_1185 = tpu.memref_slice %arg11[%dma_start3A_1182, %dma_start3A_1184] : memref<4x128xf32, #tpu.memory_space<vmem>> -> memref<1x128xf32, #tpu.memory_space<vmem>>
      %dma_start3A_1186 = tpu.memref_squeeze %dma_start3A_1185 : memref<1x128xf32, #tpu.memory_space<vmem>> -> memref<128xf32, #tpu.memory_space<vmem>>
      %dma_start3A_1187 = arith.constant 0 : i32
      %dma_start3A_1188 = tpu.memref_slice %arg10[%dma_start3A_1183, %dma_start3A_1187] : memref<4x128xi32, #tpu.memory_space<vmem>> -> memref<1x128xi32, #tpu.memory_space<vmem>>
      %dma_start3A_1189 = tpu.memref_squeeze %dma_start3A_1188 : memref<1x128xi32, #tpu.memory_space<vmem>> -> memref<128xi32, #tpu.memory_space<vmem>>
      %dma_start3A_1190 = arith.constant 0 : i32
      %dma_start3A_1191 = tpu.memref_slice %arg12[%dma_start3A_1190] : memref<16512xf32, #tpu.memory_space<vmem_shared>> -> memref<16512xf32, #tpu.memory_space<vmem_shared>>
      tpu.enqueue_indirect_dma source(%dma_start3A_1186 : memref<128xf32, #tpu.memory_space<vmem>>) target(%dma_start3A_1191 : memref<16512xf32, #tpu.memory_space<vmem_shared>>) offsets(%dma_start3A_1189 : memref<128xi32, #tpu.memory_space<vmem>>) semaphore(%arg15 : memref<!tpu.dma_semaphore, #tpu.memory_space<semaphore_mem>>) {add = true}
      %dma_start3A_1192 = arith.constant 3 : i32
      %dma_start3A_1193 = arith.constant 3 : i32
      %dma_start3A_1194 = arith.constant 0 : i32
      %dma_start3A_1195 = tpu.memref_slice %arg11[%dma_start3A_1192, %dma_start3A_1194] : memref<4x128xf32, #tpu.memory_space<vmem>> -> memref<1x128xf32, #tpu.memory_space<vmem>>
      %dma_start3A_1196 = tpu.memref_squeeze %dma_start3A_1195 : memref<1x128xf32, #tpu.memory_space<vmem>> -> memref<128xf32, #tpu.memory_space<vmem>>
      %dma_start3A_1197 = arith.constant 0 : i32
      %dma_start3A_1198 = tpu.memref_slice %arg10[%dma_start3A_1193, %dma_start3A_1197] : memref<4x128xi32, #tpu.memory_space<vmem>> -> memref<1x128xi32, #tpu.memory_space<vmem>>
      %dma_start3A_1199 = tpu.memref_squeeze %dma_start3A_1198 : memref<1x128xi32, #tpu.memory_space<vmem>> -> memref<128xi32, #tpu.memory_space<vmem>>
      %dma_start3A_1200 = arith.constant 0 : i32
      %dma_start3A_1201 = tpu.memref_slice %arg12[%dma_start3A_1200] : memref<16512xf32, #tpu.memory_space<vmem_shared>> -> memref<16512xf32, #tpu.memory_space<vmem_shared>>
      tpu.enqueue_indirect_dma source(%dma_start3A_1196 : memref<128xf32, #tpu.memory_space<vmem>>) target(%dma_start3A_1201 : memref<16512xf32, #tpu.memory_space<vmem_shared>>) offsets(%dma_start3A_1199 : memref<128xi32, #tpu.memory_space<vmem>>) semaphore(%arg15 : memref<!tpu.dma_semaphore, #tpu.memory_space<semaphore_mem>>) {add = true}
      %dma_wait3A_1202 = arith.constant 0 : i32
      %dma_wait3A_1203 = arith.constant 0 : i32
      %dma_wait3A_1204 = arith.constant 0 : i32
      %dma_wait3A_1205 = tpu.memref_slice %arg11[%dma_wait3A_1202, %dma_wait3A_1204] : memref<4x128xf32, #tpu.memory_space<vmem>> -> memref<1x128xf32, #tpu.memory_space<vmem>>
      %dma_wait3A_1206 = tpu.memref_squeeze %dma_wait3A_1205 : memref<1x128xf32, #tpu.memory_space<vmem>> -> memref<128xf32, #tpu.memory_space<vmem>>
      %dma_wait3A_1207 = arith.constant 0 : i32
      %dma_wait3A_1208 = tpu.memref_slice %arg10[%dma_wait3A_1203, %dma_wait3A_1207] : memref<4x128xi32, #tpu.memory_space<vmem>> -> memref<1x128xi32, #tpu.memory_space<vmem>>
      %dma_wait3A_1209 = tpu.memref_squeeze %dma_wait3A_1208 : memref<1x128xi32, #tpu.memory_space<vmem>> -> memref<128xi32, #tpu.memory_space<vmem>>
      %dma_wait3A_1210 = arith.constant 0 : i32
      %dma_wait3A_1211 = tpu.memref_slice %arg12[%dma_wait3A_1210] : memref<16512xf32, #tpu.memory_space<vmem_shared>> -> memref<16512xf32, #tpu.memory_space<vmem_shared>>
      tpu.wait_indirect_dma semaphore(%arg15 : memref<!tpu.dma_semaphore, #tpu.memory_space<semaphore_mem>>) src(%dma_wait3A_1206 : memref<128xf32, #tpu.memory_space<vmem>>) dst(%dma_wait3A_1211 : memref<16512xf32, #tpu.memory_space<vmem_shared>>)
      %dma_wait3A_1212 = arith.constant 1 : i32
      %dma_wait3A_1213 = arith.constant 1 : i32
      %dma_wait3A_1214 = arith.constant 0 : i32
      %dma_wait3A_1215 = tpu.memref_slice %arg11[%dma_wait3A_1212, %dma_wait3A_1214] : memref<4x128xf32, #tpu.memory_space<vmem>> -> memref<1x128xf32, #tpu.memory_space<vmem>>
      %dma_wait3A_1216 = tpu.memref_squeeze %dma_wait3A_1215 : memref<1x128xf32, #tpu.memory_space<vmem>> -> memref<128xf32, #tpu.memory_space<vmem>>
      %dma_wait3A_1217 = arith.constant 0 : i32
      %dma_wait3A_1218 = tpu.memref_slice %arg10[%dma_wait3A_1213, %dma_wait3A_1217] : memref<4x128xi32, #tpu.memory_space<vmem>> -> memref<1x128xi32, #tpu.memory_space<vmem>>
      %dma_wait3A_1219 = tpu.memref_squeeze %dma_wait3A_1218 : memref<1x128xi32, #tpu.memory_space<vmem>> -> memref<128xi32, #tpu.memory_space<vmem>>
      %dma_wait3A_1220 = arith.constant 0 : i32
      %dma_wait3A_1221 = tpu.memref_slice %arg12[%dma_wait3A_1220] : memref<16512xf32, #tpu.memory_space<vmem_shared>> -> memref<16512xf32, #tpu.memory_space<vmem_shared>>
      tpu.wait_indirect_dma semaphore(%arg15 : memref<!tpu.dma_semaphore, #tpu.memory_space<semaphore_mem>>) src(%dma_wait3A_1216 : memref<128xf32, #tpu.memory_space<vmem>>) dst(%dma_wait3A_1221 : memref<16512xf32, #tpu.memory_space<vmem_shared>>)
      %dma_wait3A_1222 = arith.constant 2 : i32
      %dma_wait3A_1223 = arith.constant 2 : i32
      %dma_wait3A_1224 = arith.constant 0 : i32
      %dma_wait3A_1225 = tpu.memref_slice %arg11[%dma_wait3A_1222, %dma_wait3A_1224] : memref<4x128xf32, #tpu.memory_space<vmem>> -> memref<1x128xf32, #tpu.memory_space<vmem>>
      %dma_wait3A_1226 = tpu.memref_squeeze %dma_wait3A_1225 : memref<1x128xf32, #tpu.memory_space<vmem>> -> memref<128xf32, #tpu.memory_space<vmem>>
      %dma_wait3A_1227 = arith.constant 0 : i32
      %dma_wait3A_1228 = tpu.memref_slice %arg10[%dma_wait3A_1223, %dma_wait3A_1227] : memref<4x128xi32, #tpu.memory_space<vmem>> -> memref<1x128xi32, #tpu.memory_space<vmem>>
      %dma_wait3A_1229 = tpu.memref_squeeze %dma_wait3A_1228 : memref<1x128xi32, #tpu.memory_space<vmem>> -> memref<128xi32, #tpu.memory_space<vmem>>
      %dma_wait3A_1230 = arith.constant 0 : i32
      %dma_wait3A_1231 = tpu.memref_slice %arg12[%dma_wait3A_1230] : memref<16512xf32, #tpu.memory_space<vmem_shared>> -> memref<16512xf32, #tpu.memory_space<vmem_shared>>
      tpu.wait_indirect_dma semaphore(%arg15 : memref<!tpu.dma_semaphore, #tpu.memory_space<semaphore_mem>>) src(%dma_wait3A_1226 : memref<128xf32, #tpu.memory_space<vmem>>) dst(%dma_wait3A_1231 : memref<16512xf32, #tpu.memory_space<vmem_shared>>)
      %dma_wait3A_1232 = arith.constant 3 : i32
      %dma_wait3A_1233 = arith.constant 3 : i32
      %dma_wait3A_1234 = arith.constant 0 : i32
      %dma_wait3A_1235 = tpu.memref_slice %arg11[%dma_wait3A_1232, %dma_wait3A_1234] : memref<4x128xf32, #tpu.memory_space<vmem>> -> memref<1x128xf32, #tpu.memory_space<vmem>>
      %dma_wait3A_1236 = tpu.memref_squeeze %dma_wait3A_1235 : memref<1x128xf32, #tpu.memory_space<vmem>> -> memref<128xf32, #tpu.memory_space<vmem>>
      %dma_wait3A_1237 = arith.constant 0 : i32
      %dma_wait3A_1238 = tpu.memref_slice %arg10[%dma_wait3A_1233, %dma_wait3A_1237] : memref<4x128xi32, #tpu.memory_space<vmem>> -> memref<1x128xi32, #tpu.memory_space<vmem>>
      %dma_wait3A_1239 = tpu.memref_squeeze %dma_wait3A_1238 : memref<1x128xi32, #tpu.memory_space<vmem>> -> memref<128xi32, #tpu.memory_space<vmem>>
      %dma_wait3A_1240 = arith.constant 0 : i32
      %dma_wait3A_1241 = tpu.memref_slice %arg12[%dma_wait3A_1240] : memref<16512xf32, #tpu.memory_space<vmem_shared>> -> memref<16512xf32, #tpu.memory_space<vmem_shared>>
      tpu.wait_indirect_dma semaphore(%arg15 : memref<!tpu.dma_semaphore, #tpu.memory_space<semaphore_mem>>) src(%dma_wait3A_1236 : memref<128xf32, #tpu.memory_space<vmem>>) dst(%dma_wait3A_1241 : memref<16512xf32, #tpu.memory_space<vmem_shared>>)
      %barrier3A_1242 = arith.constant 0 : index
      tpu.barrier barrier_id(%barrier3A_1242)
      %mul3A_1243 = arith.constant 1024 : i32
      %mul3A_1244 = arith.muli %arg1, %mul3A_1243 : i32
      %mul3A_1245 = arith.constant 1024 : i32
      %mul3A_1246 = arith.muli %arg1, %mul3A_1245 : i32
      "tpu.region"() ({
        %run_scoped3A = tpu.sem_alloc : memref<!tpu.dma_semaphore, #tpu.memory_space<semaphore_mem>>
        %dma_start3A_1247 = tpu.memref_slice %arg6[%mul3A_1246] : memref<16384xf32, #tpu.memory_space<hbm>> -> memref<1024xf32, #tpu.memory_space<hbm>>
        %dma_start3A_1248 = tpu.memref_slice %arg12[%mul3A_1244] : memref<16512xf32, #tpu.memory_space<vmem_shared>> -> memref<1024xf32, #tpu.memory_space<vmem_shared>>
        tpu.enqueue_dma source(%dma_start3A_1248 : memref<1024xf32, #tpu.memory_space<vmem_shared>>) target(%dma_start3A_1247 : memref<1024xf32, #tpu.memory_space<hbm>>) target_semaphore(%run_scoped3A : memref<!tpu.dma_semaphore, #tpu.memory_space<semaphore_mem>>)
        %dma_wait3A_1249 = tpu.memref_slice %arg6[%mul3A_1246] : memref<16384xf32, #tpu.memory_space<hbm>> -> memref<1024xf32, #tpu.memory_space<hbm>>
        %dma_wait3A_1250 = tpu.memref_slice %arg12[%mul3A_1244] : memref<16512xf32, #tpu.memory_space<vmem_shared>> -> memref<1024xf32, #tpu.memory_space<vmem_shared>>
        tpu.wait_dma2 semaphore(%run_scoped3A : memref<!tpu.dma_semaphore, #tpu.memory_space<semaphore_mem>>) src(%dma_wait3A_1250 : memref<1024xf32, #tpu.memory_space<vmem_shared>>) dst(%dma_wait3A_1249 : memref<1024xf32, #tpu.memory_space<hbm>>)
        tpu.yield
      }) : () -> ()
    } else {
    }
    return
  }
}

module attributes {stable_mosaic.version = 14 : i64} {
  func.func @body(%arg0: i32, %arg1: memref<2048x256xf32, #tpu.memory_space<vmem>>, %arg2: memref<256x64xf32, #tpu.memory_space<vmem>>, %arg3: memref<1x512xf32, #tpu.memory_space<vmem>>, %arg4: memref<2048x64xf32, #tpu.memory_space<vmem>>) attributes {dimension_semantics = [#tpu.dimension_semantics<arbitrary>], iteration_bounds = array<i64: 2>, scalar_prefetch = 0 : i64, scratch_operands = 0 : i64, tpu.core_type = #tpu.core_type<tc>, window_params = [{transform_indices = @transform_0, window_bounds = array<i64: 2048, 256>}, {pipeline_mode = #tpu.pipeline_mode<synchronous>, transform_indices = @transform_1, window_bounds = array<i64: 256, 64>}, {pipeline_mode = #tpu.pipeline_mode<synchronous>, transform_indices = @transform_2, window_bounds = array<i64: 1, 512>}, {transform_indices = @transform_3, window_bounds = array<i64: 2048, 64>}]} {
    %get3A = arith.constant 0 : index
    %get3A_0 = arith.constant 0 : index
    %get3A_1 = vector.load %arg1[%get3A, %get3A_0] : memref<2048x256xf32, #tpu.memory_space<vmem>>, vector<2048x256xf32>
    %get3A_2 = arith.constant 0 : index
    %get3A_3 = arith.constant 0 : index
    %get3A_4 = vector.load %arg2[%get3A_2, %get3A_3] : memref<256x64xf32, #tpu.memory_space<vmem>>, vector<256x64xf32>
    %dot_general3A = arith.constant dense<0.000000e+00> : vector<2048x64xf32>
    %dot_general3A_5 = tpu.matmul %get3A_1, %get3A_4, %dot_general3A {dimension_numbers = #tpu.dot_dimension_numbers<[1], [0], [0], [1], [0, 0, 1, 1], [], []>, transpose_lhs_hint = false} : vector<2048x256xf32>, vector<256x64xf32>, vector<2048x64xf32> -> vector<2048x64xf32>
    %get3A_6 = arith.constant 0 : index
    %get3A_7 = arith.constant 448 : index
    %get3A_8 = vector.load %arg3[%get3A_6, %get3A_7] : memref<1x512xf32, #tpu.memory_space<vmem>>, vector<1x64xf32>
    %get3A_9 = vector.shape_cast %get3A_8 : vector<1x64xf32> to vector<64xf32>
    %broadcast_in_dim3A = vector.shape_cast %get3A_9 : vector<64xf32> to vector<1x64xf32>
    %add3A = vector.broadcast %broadcast_in_dim3A : vector<1x64xf32> to vector<2048x64xf32>
    %add3A_10 = arith.addf %dot_general3A_5, %add3A : vector<2048x64xf32>
    %tanh3A = math.tanh %add3A_10 : vector<2048x64xf32>
    %swap3A = arith.constant 0 : index
    %swap3A_11 = arith.constant 0 : index
    %swap3A_12 = vector.load %arg4[%swap3A, %swap3A_11] : memref<2048x64xf32, #tpu.memory_space<vmem>>, vector<2048x64xf32>
    tpu.vector_store %arg4[%swap3A, %swap3A_11], %tanh3A {strides = array<i32>} : memref<2048x64xf32, #tpu.memory_space<vmem>>, vector<2048x64xf32>,
    return
  }
  func.func @transform_0(%arg0: i32) -> (i32, i32) {
    %c0_i32 = arith.constant 0 : i32
    %c0_i32_0 = arith.constant 0 : i32
    return %arg0, %c0_i32 : i32, i32
  }
  func.func @transform_1(%arg0: i32) -> (i32, i32) {
    %c0_i32 = arith.constant 0 : i32
    %c0_i32_0 = arith.constant 0 : i32
    %c0_i32_1 = arith.constant 0 : i32
    return %c0_i32, %c0_i32_0 : i32, i32
  }
  func.func @transform_2(%arg0: i32) -> (i32, i32) {
    %c0_i32 = arith.constant 0 : i32
    %c0_i32_0 = arith.constant 0 : i32
    %c0_i32_1 = arith.constant 0 : i32
    return %c0_i32, %c0_i32_0 : i32, i32
  }
  func.func @transform_3(%arg0: i32) -> (i32, i32) {
    %c0_i32 = arith.constant 0 : i32
    %c0_i32_0 = arith.constant 0 : i32
    return %arg0, %c0_i32 : i32, i32
  }
}

</mosaic_0001>

<sc_bundles>
// kernel: kernel.4.cloned.1.call-start
scs
__scs_entry_jumppad:
0x0: {  	(pc) =	sbr.rel $0x88, $3  }
0x1: {  	(tag) =	ssettag $0x0;
	lr =	simm.s32 $0x1  }
0x2: {  	[smem:$0x3F9C] =	sst lr;
	_ =	strace $0xD0000000  }
0x3: {  	_ = 	snop  }
0x4: {  	_ = 	snop  }
0x5: {  	_ = 	snop  }
0x6: {  	_ = 	snop  }
0x7: {  	_ = 	snop  }
__scs_overlays_trampoline_lowered:
0x8: {  	[smem:$0x3FAB] =	sst s0  }
0x9: {  	[smem:$0x3FAC] =	sst s1  }
0xa: {  	[smem:$0x3FAD] =	sst s2  }
0xb: {  	[smem:$0x3FAE] =	sst s3  }
0xc: {  	[smem:$0x3FAF] =	sst s4  }
0xd: {  	[smem:$0x3FB0] =	sst s5  }
0xe: {  	[smem:$0x3FB1] =	sst s6  }
0xf: {  	[smem:$0x3FB2] =	sst s7  }
0x10: {  	[smem:$0x3FB3] =	sst s8  }
0x11: {  	[smem:$0x3FB4] =	sst s9;
	s0 =	simm.s32 @!p0 $0x0  }
0x12: {  	s1 =	sld [smem:$0x3F9A];
	s0 =	simm.s32 @p0 $0x1  }
0x13: {  	[smem:$0x3FB5] =	sst s0;
	s0 =	simm.s32 @!p1 $0x0  }
0x14: {  	s2 =	sld [smem:$0x3F99];
	s0 =	simm.s32 @p1 $0x1  }
0x15: {  	[smem:$0x3FB6] =	sst s0;
	s0 =	simm.s32 @!p2 $0x0  }
0x16: {  	s3 =	sld [smem:$0x3FDB];
	s0 =	simm.s32 @p2 $0x1  }
0x17: {  	s4 =	simm.s32 $0x1BF5;
	[smem:$0x3FB8] =	sst s0  }
0x18: {  	s0 =	sld [smem:$0x3F9B];
	_ =	swait.ge [sflag:s4], $0x0  }
0x19: {  	s7 =	sld [smem:$0x3F9C]  }
0x1a: {  	s8 =	sadd.s32 $0xFFFFE003, lr  }
0x1b: {  	s9 =	sadd.s32 $0xFFFFFEF7, lr;
	s5 =	simm.s32 $0xFFFFFFFF;
	p2 =	slt.u32 s8, $0xFFFFF086  }
0x1c: {  	p1 =	slt.u32 s9, $0xF7A;
	s5 =	simm.s32 @!p2 $0x0  }
0x1d: {  	s5 =	simm.s32 @p1 $0x1;
	p0 =	seq.s32 s7, s2  }
0x1e: {  	s7 =	smul.u32 @!p0 $0xF7A, s2;
	p2 =	seq.s32 @!p0 s5, $0x0  }
0x1f: {  	s9 =	smul.u32 $0xF7A, s1;
	s8 =	simm.s32 @!p0 $0x1BF5;
	p2 =	por !p2, p0  }
0x20: {  	[sflag:s8] =	ssyncset.s32 @!p0 $0xFFFFF086;
	s6 =	sadd.s32 @!p0 s3, s7;
	s7 =	simm.s32 @!p0 $0x108  }
0x21: {  	s3 =	sadd.s32 s3, s9;
	s6 =	sadd.s32 @!p0 $0x88, s6;
	s7 =	simm.s32 @p2 $0x1082  }
0x22: {  	[simem:s7], [sflag:s8] =	dma.local @!p0 [hbm:s6], $0xF7A  }
0x23: {  	s9 =	sor.u32 $0xD0000000, s2;
	s6 =	simm.s32 $0x108;
	_ =	swait.ge @!p0 [sflag:s8], $0x0  }
0x24: {  	s3 =	sadd.s32 $0x88, s3;
	s6 =	simm.s32 @!p1 $0x1082;
	[sflag:s4] =	ssyncset.s32 $0xFFFFF086  }
0x25: {  	[simem:s6], [sflag:s4] =	dma.local [hbm:s3], $0xF7A  }
0x26: {  	[smem:$0x3F9C] =	sst s1;
	(tag) =	ssettag s2;
	_ =	strace s9  }
0x27: {  	s1 =	sld [smem:$0x3FAC]  }
0x28: {  	s2 =	sld [smem:$0x3FAD]  }
0x29: {  	s4 =	sld [smem:$0x3FAF]  }
0x2a: {  	p0 =	seq.s32 s5, $0x0;
	s5 =	sld [smem:$0x3FB0]  }
0x2b: {  	s6 =	sld [smem:$0x3FB1]  }
0x2c: {  	s7 =	sld [smem:$0x3FB2]  }
0x2d: {  	s3 =	simm.s32 $0x108;
	s8 =	sld [smem:$0x3FB3]  }
0x2e: {  	s3 =	simm.s32 @!p0 $0x1082;
	s9 =	sld [smem:$0x3FB4]  }
0x2f: {  	lr =	sadd.s32 s0, s3;
	s0 =	sld [smem:$0x3FAB]  }
0x30: {  	s3 =	sld [smem:$0x3FAE]  }
0x31: {  	[smem:$0x3FB7] =	sst s10  }
0x32: {  	s10 =	sld [smem:$0x3FB5];
	_ =	sdelay $0x3  }
0x33: {  	p0 =	seq.s32 s10, $0x1;
	s10 =	sld [smem:$0x3FB7];
	_ =	sdelay $0x3  }
0x34: {  	[smem:$0x3FB7] =	sst s10  }
0x35: {  	s10 =	sld [smem:$0x3FB6];
	_ =	sdelay $0x3  }
0x36: {  	p1 =	seq.s32 s10, $0x1;
	s10 =	sld [smem:$0x3FB7];
	_ =	sdelay $0x3  }
0x37: {  	[smem:$0x3FB7] =	sst s10  }
0x38: {  	s10 =	sld [smem:$0x3FB8]  }
0x39: {  	_ = 	snop;
	(pc) =	sbr.ind lr, $3  }
0x3a: {  	_ = 	snop  }
0x3b: {  	_ = 	snop  }
0x3c: {  	p2 =	seq.s32 s10, $0x1;
	s10 =	sld [smem:$0x3FB7]  }
0x3d: {  	_ =	shalt  }
0x3e: {  	_ =	shalt  }
0x3f: {  	_ =	shalt  }
0x40: {  	_ =	shalt  }
0x41: {  	_ =	shalt  }
0x42: {  	_ =	shalt  }
0x43: {  	_ =	shalt  }
0x44: {  	_ =	shalt  }
0x45: {  	_ =	shalt  }
0x46: {  	_ =	shalt  }
0x47: {  	_ =	shalt  }
0x48: {  	_ =	shalt  }
0x49: {  	_ =	shalt  }
0x4a: {  	_ =	shalt  }
0x4b: {  	_ =	shalt  }
0x4c: {  	_ =	shalt  }
0x4d: {  	_ =	shalt  }
0x4e: {  	_ =	shalt  }
0x4f: {  	_ =	shalt  }
0x50: {  	_ =	shalt  }
0x51: {  	_ =	shalt  }
0x52: {  	_ =	shalt  }
0x53: {  	_ =	shalt  }
0x54: {  	_ =	shalt  }
0x55: {  	_ =	shalt  }
0x56: {  	_ =	shalt  }
0x57: {  	_ =	shalt  }
0x58: {  	_ =	shalt  }
0x59: {  	_ =	shalt  }
0x5a: {  	_ =	shalt  }
0x5b: {  	_ =	shalt  }
0x5c: {  	_ =	shalt  }
0x5d: {  	_ =	shalt  }
0x5e: {  	_ =	shalt  }
0x5f: {  	_ =	shalt  }
0x60: {  	_ =	shalt  }
0x61: {  	_ =	shalt  }
0x62: {  	_ =	shalt  }
0x63: {  	_ =	shalt  }
0x64: {  	_ =	shalt  }
0x65: {  	_ =	shalt  }
0x66: {  	_ =	shalt  }
0x67: {  	_ =	shalt  }
0x68: {  	_ =	shalt  }
0x69: {  	_ =	shalt  }
0x6a: {  	_ =	shalt  }
0x6b: {  	_ =	shalt  }
0x6c: {  	_ =	shalt  }
0x6d: {  	_ =	shalt  }
0x6e: {  	_ =	shalt  }
0x6f: {  	_ =	shalt  }
0x70: {  	_ =	shalt  }
0x71: {  	_ =	shalt  }
0x72: {  	_ =	shalt  }
0x73: {  	_ =	shalt  }
0x74: {  	_ =	shalt  }
0x75: {  	_ =	shalt  }
0x76: {  	_ =	shalt  }
0x77: {  	_ =	shalt  }
0x78: {  	_ =	shalt  }
0x79: {  	_ =	shalt  }
0x7a: {  	_ =	shalt  }
0x7b: {  	_ =	shalt  }
0x7c: {  	_ =	shalt  }
0x7d: {  	_ =	shalt  }
0x7e: {  	_ =	shalt  }
0x7f: {  	_ =	shalt  }
0x80: {  	_ =	shalt  }
0x81: {  	_ =	shalt  }
0x82: {  	_ =	shalt  }
0x83: {  	_ =	shalt  }
0x84: {  	_ =	shalt  }
0x85: {  	_ =	shalt  }
0x86: {  	_ =	shalt  }
0x87: {  	_ =	shalt  }
.Lfunc_end0:
.L_simem_size_0:
called_computation_lowered:
.L_overlay_start_0:
0x88: {  	s0 =	sld [smem:$0x3FD9]  }
0x89: {  	s1 =	sld [smem:$0x3FFE];
	_ =	sdelay $0x3  }
0x8a: {  	s0 =	sadd.s32 s1, s0  }
0x8b: {  	[smem:$0x3FC3] =	sst s0  }
0x8c: {  	_ = 	snop  }
0x8d: {  	s0 =	sld [smem:$0x3FC8]  }
0x8e: {  	s16 =	sld [smem:$0x3FC7]  }
0x8f: {  	s2 =	sld [smem:$0x3FC6]  }
0x90: {  	s3 =	sld [smem:$0x3FD0];
	(tm) =	ssettm $0x1  }
0x91: {  	s4 =	sld [smem:$0x3FFB];
	_ =	sdelay $0x3  }
0x92: {  	_ =	strace s4  }
0x93: {  	s4 =	sld [smem:$0x3FFC];
	_ =	sdelay $0x3  }
0x94: {  	_ =	strace s4  }
0x95: {  	s4 =	sld [smem:$0x3FFD];
	_ =	sdelay $0x3  }
0x96: {  	_ =	strace s4  }
0x97: {  	_ =	strace $0x8FFFFFFF  }
0x98: {  	s17 =	sld [smem:$0x3FDB];
	_ =	sdelay $0x1  }
0x99: {  	s5 =	simm.s32 $_scs_section_size  }
0x9a: {  	s6 =	simm.s32 $_size__tile_overlayer_lowered;
	s7 =	simm.s32 $_tile_overlayer_lowered  }
0x9b: {  	s20 =	simm.s32 $0x1BFF;
	s19 =	sshll.u32 s7, $0x1;
	s4 =	sadd.s32 s5, s17  }
0x9c: {  	s8 =	simm.s32 $0x0;
	s18 =	sshll.u32 s6, $0x1;
	s6 =	sadd.s32 s19, s4  }
0x9d: {  	[timem:s8], [sflag:s20] =	dma.local [hbm:s6], s18  }
0x9e: {  	_ =	swait.ge [sflag:s20], s18  }
0x9f: {  	s5 =	ssub.s32 $0x0, s18;
	[sflag:s20] =	ssyncset.done $0x0  }
0xa0: {  	[sflag:s20] =	ssyncadd.s32 s5;
	_ =	sdelay $0x1  }
0xa1: {  	s21 =	simm.s32 $0x1B8B  }
0xa2: {  	_ =	swait.ge [sflag:s21], $0x1  }
0xa3: {  	[sflag:s21] =	ssyncset.done $0x0  }
0xa4: {  	s23 =	simm.s32 $0x1B8E;
	s22 =	sld [smem:$0x3FFE];
	[sflag:s21] =	ssyncadd.s32 $0xFFFFFFFF  }
0xa5: {  	s24 =	simm.s32 $execute0_lowered;
	[smem:$0x3FD2] =	sst s23  }
0xa6: {  	s6 =	sshll.u32 s24, $0x1;
	_ =	strace $0x80000046;
	[dreg:$0x1] =	wrdreg $0xFFFFFFFF  }
0xa7: {  	s25 =	simm.s32 $_size_execute0_lowered;
	s4 =	sadd.s32 s4, s6;
	[dreg:$0x0] =	wrdreg $0x0  }
0xa8: {  	s6 =	sshll.u32 s25, $0x1;
	[dreg:$0x2] =	wrdreg s4  }
0xa9: {  	[dreg:$0x3] =	wrdreg s6  }
0xaa: {  	[dreg:$0x4] =	wrdreg $0xC0  }
0xab: {  	_ =	task [dreg:s8], $0x5FFFF  }
0xac: {  	[dreg:$0x1] =	wrdreg $0xFFFFFFFF  }
0xad: {  	[dreg:$0x0] =	wrdreg $0x60  }
0xae: {  	[dreg:$0x2] =	wrdreg s0  }
0xaf: {  	[dreg:$0x3] =	wrdreg s16  }
0xb0: {  	[dreg:$0x4] =	wrdreg s2  }
0xb1: {  	[dreg:$0x5] =	wrdreg s3  }
0xb2: {  	[dreg:$0x6] =	wrdreg s22  }
0xb3: {  	[dreg:$0x7] =	wrdreg $0xA000  }
0xb4: {  	[dreg:$0x8] =	wrdreg $0x9  }
0xb5: {  	_ =	task.clear_ibuf [dreg:s8], $0x9FFFF;
	_ =	strace $0x90000046  }
0xb6: {  	s26 =	simm.s32 $0x9;
	_ =	strace $0x80000048  }
0xb7: {  	_ =	swait.ge [sflag:s26], $0x1  }
0xb8: {  	[sflag:s26] =	ssyncadd.s32 $0xFFFFFFFF  }
0xb9: {  	_ =	strace $0x90000048  }
0xba: {  	_ =	sfence  }
0xbb: {  	s28 =	sld [smem:$0x0];
	_ =	sdelay $0x1  }
0xbc: {  	s29 =	srdreg.scid  }
0xbd: {  	s30 =	sshll.u32 s29, $0xD;
	s31 =	sshrl.u32 s29, $0x2  }
0xbe: {  	s1 =	sand.u32 $0x1, s29;
	s2 =	sand.u32 $0x4000, s30;
	s0 =	sadd.s32 s31, s28  }
0xbf: {  	s1 =	sor.u32 s2, s1;
	s0 =	sshll.u32 s0, $0x11  }
0xc0: {  	s0 =	sor.u32 s0, s1  }
0xc1: {  	s0 =	sadd.s32 $0x8F2B, s0  }
0xc2: {  	[sflag:s0] =	ssyncadd.remote.s32 $0x1  }
0xc3: {  	_ =	sfence.sel $0xFFFF  }
0xc4: {  	[dreg:$0x0] =	wrdreg $0xFFFFFFFF;
	(pc) =	sbr.abs _section_cstart, $3  }
0xc5: {  	[dreg:$0x1] =	wrdreg $0xFFFFFFFF  }
0xc6: {  	_ =	task.clear_ibuf [dreg:s8], $0x2FFFF;
	_ =	strace $0x9FFFFFFF  }
0xc7: {  	(tm) =	ssettm $0x7FFFFFFF  }
tec
execute0_lowered:
.L_overlay_start_1:
0x0: {  	(tag) =	ssettag $0x1  }
0x1: {  	s6 =	rddreg [dreg:$0x0]  }
0x2: {  	s7 =	rddreg [dreg:$0x1]  }
0x3: {  	s8 =	rddreg [dreg:$0x2]  }
0x4: {  	s9 =	rddreg [dreg:$0x3]  }
0x5: {  	s2 =	rddreg [dreg:$0x4]  }
0x6: {  	s5 =	rddreg [dreg:$0x5]  }
0x7: {  	s0 =	rddreg [dreg:$0x6];
	s10 =	simm.s32 $0x0;
	s1 =	stileid.u32  }
0x8: {  	s11 =	simm.s32 $0x200;
	[smem:$0x7FF] =	sst s10;
	s3 =	sshll.u32 s1, $0x6  }
0x9: {  	s14 =	simm.s32 $0x400;
	_ =	strace $0x80000047;
	s6 =	sadd.s32 s6, s3  }
0xa: {  	[tilespmem:s10], [sflag:$0x1] =	stream.linear.gather [hbm4b:s6+s10], $0x200, $0x38;
	[tilespmem:$0xE08] =	vst v63  }
0xb: {  	s18 =	simm.s32 $0x1;
	s12 =	sshll.u32 s1, $0xA;
	s7 =	sadd.s32 s7, s3  }
0xc: {  	[tilespmem:s11], [sflag:$0x1] =	stream.linear.gather [hbm4b:s7+s10], $0x200, $0x38;
	[tilespmem:$0xE08] =	vst v63  }
0xd: {  	s4 =	sshll.u32 s1, $0x7;
	s13 =	sadd.s32 s8, s3;
	s7 =	sadd.s32 s12, s5  }
0xe: {  	s15 =	sadd.s32 s9, s4;
	s16 =	sor.u32 $0x1C02, s3;
	s17 =	sshrl.u32 s7, $0x3  }
0xf: {  	[tilespmem:s14], [sflag:$0x1] =	stream.linear.gather [hbm4b:s13+s10], $0x200, $0x38;
	[tilespmem:$0xE08] =	vst v63  }
0x10: {  	[spmem:s17], [sflag:s16] =	dma.local [hbm:s15], $0x80  }
0x11: {  	_ =	swait.ge [sflag:s18], $0x200  }
0x12: {  	[sflag:s18] =	ssyncset.done $0x0  }
0x13: {  	[sflag:s18] =	ssyncadd.s32 $0xFFFFFE00  }
0x14: {  	_ =	swait.ge [sflag:s18], $0x200  }
0x15: {  	[sflag:s18] =	ssyncset.done $0x0  }
0x16: {  	[sflag:s18] =	ssyncadd.s32 $0xFFFFFE00  }
0x17: {  	_ =	swait.ge [sflag:s18], $0x200  }
0x18: {  	[sflag:s18] =	ssyncset.done $0x0  }
0x19: {  	[sflag:s18] =	ssyncadd.s32 $0xFFFFFE00  }
0x1a: {  	v0 =	vld [tilespmem:$0x0]  }
0x1b: {  	v1 =	vld [tilespmem:$0x200]  }
0x1c: {  	v2 =	vld [tilespmem:$0x400]  }
0x1d: {  	v3 =	vld [tilespmem:$0x10]  }
0x1e: {  	v4 =	vld [tilespmem:$0x210]  }
0x1f: {  	v8 =	vld [tilespmem:$0x20]  }
0x20: {  	v9 =	vld [tilespmem:$0x220]  }
0x21: {  	v11 =	vld [tilespmem:$0x30]  }
0x22: {  	v12 =	vld [tilespmem:$0x230]  }
0x23: {  	v14 =	vld [tilespmem:$0x40]  }
0x24: {  	v16 =	vld [tilespmem:$0x240]  }
0x25: {  	v53 =	vld [tilespmem:$0x50]  }
0x26: {  	v20 =	vld [tilespmem:$0x250]  }
0x27: {  	v15 =	vlaneseq.u32;
	v55 =	vld [tilespmem:$0x60]  }
0x28: {  	v7 =	vor.u32 $0x4000, v15;
	v56 =	vld [tilespmem:$0x260]  }
0x29: {  	v5 =	vor.u32 $0x4010, v15;
	v25 =	vld [tilespmem:$0x70];
	vm0 =	vlt.s32 v0, $0x100;
	v0 =	vshll.u32 v0, $0x6  }
0x2a: {  	v27 =	vld [tilespmem:$0x80];
	vm1 =	vgt.s32 v1, $0x1BF;
	v52 =	vshll.u32 v3, $0x6;
	vm7 =	vlt.s32 v3, $0x100  }
0x2b: {  	v62 =	vld [tilespmem:$0x280];
	vm8 =	vgt.s32 v4, $0x1BF;
	v54 =	vshll.u32 v8, $0x6;
	vm9 =	vlt.s32 v8, $0x100  }
0x2c: {  	v32 =	vld [tilespmem:$0xA0];
	vm10 =	vgt.s32 v9, $0x1BF;
	v58 =	vshll.u32 v11, $0x6;
	vm11 =	vlt.s32 v11, $0x100  }
0x2d: {  	v44 =	vld [tilespmem:$0x2A0];
	vm12 =	vgt.s32 v12, $0x1BF;
	v61 =	vshll.u32 v14, $0x6;
	vm13 =	vlt.s32 v14, $0x100  }
0x2e: {  	v35 =	vld [tilespmem:$0xB0];
	vm14 =	vgt.s32 v16, $0x1BF;
	v3 =	vor.u32 $0x4040, v15;
	v40 =	vshll.u32 v53, $0x6  }
0x2f: {  	v6 =	vld [tilespmem:$0x410];
	vm15 =	vlt.s32 v53, $0x100;
	vm4 =	vgt.s32 v20, $0x1BF;
	v43 =	vshll.u32 v55, $0x6  }
0x30: {  	v47 =	vld [tilespmem:$0x2B0];
	vm5 =	vlt.s32 v55, $0x100;
	vm6 =	vgt.s32 v56, $0x1BF;
	v46 =	vshll.u32 v25, $0x6  }
0x31: {  	v10 =	vld [tilespmem:$0x420];
	v49 =	vshll.u32 v27, $0x6;
	vm2 =	vgt.s32 v62, $0x1BF;
	v55 =	vshll.u32 v32, $0x6  }
0x32: {  	v59 =	vld [tilespmem:$0x270];
	v0 =	vadd.s32 v0, v1;
	vm0 =	vmand vm0, vm1;
	v1 =	vor.u32 $0x4020, v15  }
0x33: {  	v29 =	vld [tilespmem:$0x90];
	v14 =	vadd.s32 v49, v62;
	v8 =	vadd.s32 v55, v44;
	v62 =	vshll.u32 v35, $0x6  }
0x34: {  	v13 =	vld [tilespmem:$0x430];
	v0 =	vadd.s32 $0xFFFFFE40, v0;
	v19 =	vnsel vm0, $0x0, v2;
	v2 =	vadd.s32 v43, v56  }
0x35: {  	v41 =	vld [tilespmem:$0x290];
	v14 =	vadd.s32 $0xFFFFFE40, v14;
	v8 =	vadd.s32 $0xFFFFFE40, v8;
	v11 =	vadd.s32 v62, v47  }
0x36: {  	v17 =	vld [tilespmem:$0x440];
	v18 =	vsel vm0, v0, v7;
	v0 =	vadd.s32 v52, v4;
	vm0 =	vmand vm7, vm8  }
0x37: {  	v21 =	vld [tilespmem:$0x450];
	v4 =	vor.u32 $0x4030, v15;
	v45 =	vadd.s32 $0xFFFFFE40, v2;
	v2 =	vor.u32 $0x4060, v15  }
0x38: {  	v57 =	vld [tilespmem:$0x460];
	vm7 =	vlt.s32 v25, $0x100;
	vm8 =	vgt.s32 v59, $0x1BF;
	v52 =	vshll.u32 v29, $0x6  }
0x39: {  	v60 =	vld [tilespmem:$0x470];
	v11 =	vadd.s32 $0xFFFFFE40, v11;
	v0 =	vadd.s32 $0xFFFFFE40, v0;
	v23 =	vnsel vm0, $0x0, v6  }
0x3a: {  	v63 =	vld [tilespmem:$0x480];
	v6 =	vadd.s32 v46, v59;
	[tilespmem:$0x600] =	vst v18;
	v18 =	vadd.s32 v52, v41;
	v22 =	vsel vm0, v0, v5  }
0x3b: {  	v30 =	vld [tilespmem:$0x490];
	v0 =	vadd.s32 v54, v9;
	vm0 =	vmand vm9, vm10;
	v48 =	vadd.s32 $0xFFFFFE40, v6  }
0x3c: {  	v33 =	vld [tilespmem:$0x4A0];
	vm9 =	vlt.s32 v27, $0x100;
	v6 =	vor.u32 $0x4070, v15;
	vm10 =	vlt.s32 v29, $0x100  }
0x3d: {  	v53 =	vld [tilespmem:$0xD0];
	v18 =	vadd.s32 $0xFFFFFE40, v18;
	v0 =	vadd.s32 $0xFFFFFE40, v0;
	v10 =	vnsel vm0, $0x0, v10  }
0x3e: {  	v38 =	vld [tilespmem:$0x2F0];
	vm1 =	vmand vm9, vm2;
	v24 =	vsel vm0, v0, v1;
	v0 =	vadd.s32 v58, v12  }
0x3f: {  	v54 =	vld [tilespmem:$0x2D0];
	vm0 =	vmand vm11, vm12;
	v14 =	vsel vm1, v14, v7;
	vm11 =	vgt.s32 v41, $0x1BF  }
0x40: {  	v36 =	vld [tilespmem:$0x4B0];
	vm12 =	vlt.s32 v32, $0x100;
	v0 =	vadd.s32 $0xFFFFFE40, v0;
	v13 =	vnsel vm0, $0x0, v13  }
0x41: {  	v50 =	vld [tilespmem:$0xC0];
	v26 =	vsel vm0, v0, v4;
	v0 =	vadd.s32 v61, v16;
	vm0 =	vmand vm13, vm14  }
0x42: {  	v51 =	vld [tilespmem:$0x2C0];
	v16 =	vnsel vm1, $0x0, v63;
	vm13 =	vgt.s32 v44, $0x1BF;
	v44 =	vshll.u32 v53, $0x6  }
0x43: {  	v37 =	vld [tilespmem:$0x4C0];
	v0 =	vadd.s32 $0xFFFFFE40, v0;
	v17 =	vnsel vm0, $0x0, v17;
	vm14 =	vmand vm12, vm13  }
0x44: {  	[tilespmem:$0x800] =	vst v19;
	v52 =	vld [tilespmem:$0x120];
	vm9 =	vgt.s32 v54, $0x1BF;
	v19 =	vadd.s32 v44, v54;
	vm13 =	vgt.s32 v38, $0x1BF  }
0x45: {  	v43 =	vld [tilespmem:$0x300];
	[tilespmem:$0x810] =	vst v23;
	v28 =	vsel vm0, v0, v3;
	v0 =	vadd.s32 v40, v20;
	vm0 =	vmand vm15, vm4  }
0x46: {  	v46 =	vld [tilespmem:$0x110];
	[tilespmem:$0x610] =	vst v22;
	v8 =	vsel vm14, v8, v1;
	vm15 =	vlt.s32 v35, $0x100;
	vm4 =	vgt.s32 v47, $0x1BF  }
0x47: {  	v39 =	vld [tilespmem:$0x4F0];
	[tilespmem:$0x820] =	vst v10;
	v61 =	vnsel vm14, $0x0, v33;
	v35 =	vshll.u32 v50, $0x6;
	v19 =	vadd.s32 $0xFFFFFE40, v19  }
0x48: {  	v49 =	vld [tilespmem:$0x510];
	[tilespmem:$0x830] =	vst v13;
	v42 =	vadd.s32 $0xFFFFFE40, v0;
	v0 =	vor.u32 $0x4050, v15;
	v21 =	vnsel vm0, $0x0, v21  }
0x49: {  	v63 =	vld [tilespmem:$0xF0];
	[tilespmem:$0x640] =	vst v28;
	v13 =	vadd.s32 v35, v51;
	v28 =	vshll.u32 v52, $0x6;
	v31 =	vsel vm0, v42, v0  }
0x4a: {  	v55 =	vld [tilespmem:$0x520];
	[tilespmem:$0x620] =	vst v24;
	vm0 =	vmand vm5, vm6;
	vm5 =	vmand vm15, vm4;
	vm6 =	vlt.s32 v50, $0x100  }
0x4b: {  	v59 =	vld [tilespmem:$0x2E0];
	v13 =	vadd.s32 $0xFFFFFE40, v13;
	[tilespmem:$0x850] =	vst v21;
	vm15 =	vgt.s32 v43, $0x1BF;
	v21 =	vshll.u32 v46, $0x6  }
0x4c: {  	[tilespmem:$0x680] =	vst v14;
	v54 =	vld [tilespmem:$0x320];
	v34 =	vsel vm0, v45, v2;
	v9 =	vnsel vm0, $0x0, v57;
	vm0 =	vmand vm7, vm8  }
0x4d: {  	v56 =	vld [tilespmem:$0x4D0];
	[tilespmem:$0x630] =	vst v26;
	vm7 =	vgt.s32 v51, $0x1BF;
	v11 =	vsel vm5, v11, v4;
	v41 =	vnsel vm5, $0x0, v36  }
0x4e: {  	[tilespmem:$0x880] =	vst v16;
	v40 =	vld [tilespmem:$0x100];
	vm8 =	vlt.s32 v53, $0x100;
	vm12 =	vlt.s32 v63, $0x100;
	v53 =	vshll.u32 v63, $0x6  }
0x4f: {  	[tilespmem:$0x840] =	vst v17;
	v33 =	vld [tilespmem:$0x150];
	vm5 =	vlt.s32 v46, $0x100;
	v25 =	vsel vm0, v48, v6;
	v12 =	vnsel vm0, $0x0, v60  }
0x50: {  	[tilespmem:$0x8A0] =	vst v61;
	v61 =	vld [tilespmem:$0x140];
	vm0 =	vmand vm10, vm11;
	vm1 =	vmand vm6, vm7;
	vm11 =	vgt.s32 v59, $0x1BF  }
0x51: {  	[tilespmem:$0x6A0] =	vst v8;
	v57 =	vld [tilespmem:$0xE0];
	v14 =	vadd.s32 v53, v38;
	v32 =	vadd.s32 v28, v54;
	v18 =	vsel vm0, v18, v5  }
0x52: {  	[tilespmem:$0x650] =	vst v31;
	v45 =	vld [tilespmem:$0x500];
	v58 =	vnsel vm0, $0x0, v30;
	v13 =	vsel vm1, v13, v3;
	v42 =	vnsel vm1, $0x0, v37  }
0x53: {  	v63 =	vld [tilespmem:$0x340];
	[tilespmem:$0x660] =	vst v34;
	vm0 =	vmand vm8, vm9;
	v14 =	vadd.s32 $0xFFFFFE40, v14;
	vm14 =	vlt.s32 v40, $0x100  }
0x54: {  	v60 =	vld [tilespmem:$0x4E0];
	[tilespmem:$0x860] =	vst v9;
	v17 =	vshll.u32 v40, $0x6;
	vm8 =	vlt.s32 v52, $0x100;
	vm9 =	vgt.s32 v54, $0x1BF  }
0x55: {  	v48 =	vld [tilespmem:$0x310];
	[tilespmem:$0x6B0] =	vst v11;
	v50 =	vsel vm0, v19, v0;
	v51 =	vnsel vm0, $0x0, v56;
	vm0 =	vmand vm12, vm13  }
0x56: {  	[tilespmem:$0x8B0] =	vst v41;
	v34 =	vld [tilespmem:$0x350];
	v17 =	vadd.s32 v17, v43;
	vm4 =	vmand vm14, vm15;
	vm12 =	vlt.s32 v61, $0x100  }
0x57: {  	v28 =	vld [tilespmem:$0x1B0];
	[tilespmem:$0x890] =	vst v58;
	vm14 =	vlt.s32 v33, $0x100;
	v14 =	vsel vm0, v14, v6;
	v58 =	vnsel vm0, $0x0, v39  }
0x58: {  	[tilespmem:$0x670] =	vst v25;
	v37 =	vld [tilespmem:$0x160];
	v39 =	vshll.u32 v61, $0x6;
	vm10 =	vlt.s32 v57, $0x100;
	v20 =	vshll.u32 v57, $0x6  }
0x59: {  	[tilespmem:$0x870] =	vst v12;
	v40 =	vld [tilespmem:$0x360];
	v62 =	vnsel vm4, $0x0, v45;
	vm13 =	vgt.s32 v63, $0x1BF;
	v41 =	vadd.s32 v39, v63  }
0x5a: {  	v30 =	vld [tilespmem:$0x3B0];
	[tilespmem:$0x690] =	vst v18;
	v47 =	vadd.s32 v20, v59;
	vm1 =	vmand vm10, vm11;
	v59 =	vadd.s32 $0xFFFFFE40, v17  }
0x5b: {  	v29 =	vld [tilespmem:$0x540];
	[tilespmem:$0x6C0] =	vst v13;
	vm6 =	vgt.s32 v48, $0x1BF;
	v20 =	vadd.s32 v21, v48;
	vm15 =	vgt.s32 v34, $0x1BF  }
0x5c: {  	v56 =	vld [tilespmem:$0x130];
	[tilespmem:$0x8C0] =	vst v42;
	v12 =	vshll.u32 v28, $0x6;
	v9 =	vadd.s32 $0xFFFFFE40, v47;
	v10 =	vnsel vm1, $0x0, v60  }
0x5d: {  	v46 =	vld [tilespmem:$0x370];
	[tilespmem:$0x6D0] =	vst v50;
	v15 =	vsel vm4, v59, v7;
	vm7 =	vmand vm5, vm6;
	v31 =	vadd.s32 $0xFFFFFE40, v20  }
0x5e: {  	v43 =	vld [tilespmem:$0x170];
	[tilespmem:$0x8D0] =	vst v51;
	v20 =	vadd.s32 $0xFFFFFE40, v32;
	v47 =	vshll.u32 v33, $0x6;
	vm4 =	vlt.s32 v37, $0x100  }
0x5f: {  	v22 =	vld [tilespmem:$0x1A0];
	[tilespmem:$0x6F0] =	vst v14;
	v52 =	vshll.u32 v37, $0x6;
	vm5 =	vgt.s32 v40, $0x1BF;
	v39 =	vadd.s32 v12, v30  }
0x60: {  	v26 =	vld [tilespmem:$0x5A0];
	[tilespmem:$0x8F0] =	vst v58;
	v9 =	vsel vm1, v9, v2;
	v13 =	vsel vm7, v31, v5;
	vm1 =	vmand vm8, vm9  }
0x61: {  	v50 =	vld [tilespmem:$0x180];
	v35 =	vnsel vm7, $0x0, v49;
	vm10 =	vlt.s32 v56, $0x100;
	v18 =	vshll.u32 v56, $0x6;
	[tilespmem:$0x8E0] =	vst v10  }
0x62: {  	v57 =	vld [tilespmem:$0x330];
	v10 =	vadd.s32 $0xFFFFFE40, v41;
	[tilespmem:$0x700] =	vst v15;
	v15 =	vadd.s32 v47, v34;
	vm6 =	vmand vm4, vm5  }
0x63: {  	v53 =	vld [tilespmem:$0x380];
	[tilespmem:$0x900] =	vst v62;
	vm7 =	vlt.s32 v43, $0x100;
	vm8 =	vgt.s32 v46, $0x1BF;
	v14 =	vshll.u32 v43, $0x6  }
0x64: {  	v58 =	vld [tilespmem:$0x190];
	vm5 =	vlt.s32 v28, $0x100;
	v41 =	vadd.s32 $0xFFFFFE40, v39;
	v20 =	vsel vm1, v20, v1;
	[tilespmem:$0x6E0] =	vst v9  }
0x65: {  	v36 =	vld [tilespmem:$0x550];
	v16 =	vnsel vm1, $0x0, v55;
	vm1 =	vmand vm12, vm13;
	[tilespmem:$0x710] =	vst v13;
	v51 =	vadd.s32 $0xFFFFFE40, v15  }
0x66: {  	v48 =	vld [tilespmem:$0x570];
	[tilespmem:$0x910] =	vst v35;
	v55 =	vadd.s32 v52, v40;
	vm9 =	vmand vm7, vm8;
	v62 =	vadd.s32 v14, v46  }
0x67: {  	v42 =	vld [tilespmem:$0x560];
	v63 =	vshll.u32 v50, $0x6;
	v35 =	vshll.u32 v22, $0x6;
	vm11 =	vgt.s32 v57, $0x1BF;
	[tilespmem:$0x720] =	vst v20  }
0x68: {  	v60 =	vld [tilespmem:$0x530];
	v38 =	vadd.s32 v18, v57;
	v10 =	vsel vm1, v10, v3;
	v49 =	vnsel vm1, $0x0, v29;
	[tilespmem:$0x920] =	vst v16  }
0x69: {  	v59 =	vld [tilespmem:$0x390];
	v13 =	vadd.s32 $0xFFFFFE40, v55;
	v24 =	vadd.s32 v63, v53;
	vm12 =	vlt.s32 v58, $0x100;
	[tilespmem:$0x740] =	vst v10  }
0x6a: {  	v25 =	vld [tilespmem:$0x3A0];
	v27 =	vshll.u32 v58, $0x6;
	vm0 =	vmand vm10, vm11;
	v13 =	vsel vm6, v13, v2;
	[tilespmem:$0x940] =	vst v49  }
0x6b: {  	v33 =	vld [tilespmem:$0x1C0];
	v9 =	vadd.s32 $0xFFFFFE40, v38;
	vm10 =	vlt.s32 v50, $0x100;
	v29 =	vnsel vm9, $0x0, v48;
	[tilespmem:$0x760] =	vst v13  }
0x6c: {  	v61 =	vld [tilespmem:$0x590];
	vm11 =	vgt.s32 v53, $0x1BF;
	v10 =	vadd.s32 $0xFFFFFE40, v24;
	v44 =	vsel vm0, v9, v4;
	[tilespmem:$0x970] =	vst v29  }
0x6d: {  	v56 =	vld [tilespmem:$0x580];
	v45 =	vnsel vm0, $0x0, v60;
	vm0 =	vmand vm14, vm15;
	v60 =	vnsel vm6, $0x0, v42;
	[tilespmem:$0x730] =	vst v44  }
0x6e: {  	v37 =	vld [tilespmem:$0x1D0];
	v9 =	vadd.s32 $0xFFFFFE40, v62;
	vm1 =	vmand vm10, vm11;
	vm13 =	vgt.s32 v59, $0x1BF;
	[tilespmem:$0x930] =	vst v45  }
0x6f: {  	v32 =	vld [tilespmem:$0x5B0];
	vm14 =	vlt.s32 v22, $0x100;
	vm15 =	vgt.s32 v25, $0x1BF;
	v54 =	vsel vm0, v51, v0;
	[tilespmem:$0x960] =	vst v60  }
0x70: {  	v40 =	vld [tilespmem:$0x3D0];
	vm6 =	vgt.s32 v30, $0x1BF;
	vm7 =	vlt.s32 v33, $0x100;
	v57 =	vnsel vm0, $0x0, v36;
	[tilespmem:$0x750] =	vst v54  }
0x71: {  	v46 =	vld [tilespmem:$0x3E0];
	v43 =	vshll.u32 v33, $0x6;
	v9 =	vsel vm9, v9, v6;
	v7 =	vsel vm1, v10, v7;
	[tilespmem:$0x950] =	vst v57  }
0x72: {  	v52 =	vld [tilespmem:$0x3F0];
	v10 =	vadd.s32 v27, v59;
	v31 =	vnsel vm1, $0x0, v56;
	vm0 =	vmand vm12, vm13;
	[tilespmem:$0x770] =	vst v9  }
0x73: {  	v48 =	vld [tilespmem:$0x5D0];
	vm4 =	vmand vm14, vm15;
	vm1 =	vmand vm5, vm6;
	vm9 =	vlt.s32 v37, $0x100;
	[tilespmem:$0x780] =	vst v7  }
0x74: {  	v49 =	vld [tilespmem:$0x1F0];
	v51 =	vshll.u32 v37, $0x6;
	v10 =	vadd.s32 $0xFFFFFE40, v10;
	v34 =	vnsel vm0, $0x0, v61;
	[tilespmem:$0x980] =	vst v31  }
0x75: {  	v36 =	vld [tilespmem:$0x3C0];
	v4 =	vsel vm1, v41, v4;
	v45 =	vnsel vm4, $0x0, v26;
	v47 =	vnsel vm1, $0x0, v32;
	[tilespmem:$0x990] =	vst v34  }
0x76: {  	vm10 =	vgt.s32 v40, $0x1BF;
	v53 =	vadd.s32 v51, v40;
	vm13 =	vgt.s32 v46, $0x1BF;
	[tilespmem:$0x9A0] =	vst v45  }
0x77: {  	v44 =	vld [tilespmem:$0x1E0];
	v5 =	vsel vm0, v10, v5;
	v10 =	vadd.s32 v35, v25;
	[tilespmem:$0x7B0] =	vst v4;
	vm11 =	vmand vm9, vm10  }
0x78: {  	v42 =	vld [tilespmem:$0x5C0];
	vm15 =	vgt.s32 v52, $0x1BF;
	[tilespmem:$0x9B0] =	vst v47;
	v38 =	vadd.s32 $0xFFFFFE40, v10;
	v58 =	vnsel vm11, $0x0, v48  }
0x79: {  	v54 =	vld [tilespmem:$0x5E0];
	[tilespmem:$0x790] =	vst v5;
	v60 =	vshll.u32 v49, $0x6;
	vm14 =	vlt.s32 v49, $0x100;
	v1 =	vsel vm4, v38, v1  }
0x7a: {  	vm8 =	vgt.s32 v36, $0x1BF;
	v5 =	vadd.s32 v43, v36;
	[tilespmem:$0x7A0] =	vst v1;
	v1 =	vadd.s32 $0xFFFFFE40, v53  }
0x7b: {  	[tilespmem:$0x9D0] =	vst v58;
	vm0 =	vmand vm7, vm8;
	v5 =	vadd.s32 $0xFFFFFE40, v5;
	v0 =	vsel vm11, v1, v0  }
0x7c: {  	v57 =	vld [tilespmem:$0x5F0];
	vm12 =	vlt.s32 v44, $0x100;
	v7 =	vshll.u32 v44, $0x6;
	v3 =	vsel vm0, v5, v3;
	[tilespmem:$0x7D0] =	vst v0  }
0x7d: {  	v55 =	vadd.s32 v7, v46;
	vm1 =	vmand vm12, vm13;
	v50 =	vnsel vm0, $0x0, v42;
	[tilespmem:$0x7C0] =	vst v3  }
0x7e: {  	v1 =	vadd.s32 v60, v52;
	v56 =	vadd.s32 $0xFFFFFE40, v55;
	v61 =	vnsel vm1, $0x0, v54;
	[tilespmem:$0x9C0] =	vst v50  }
0x7f: {  	vm0 =	vmand vm14, vm15;
	v62 =	vadd.s32 $0xFFFFFE40, v1;
	v59 =	vsel vm1, v56, v2;
	[tilespmem:$0x9E0] =	vst v61  }
0x80: {  	v0 =	vsel vm0, v62, v6;
	[tilespmem:$0x7E0] =	vst v59  }
0x81: {  	v63 =	vnsel vm0, $0x0, v57;
	[tilespmem:$0x7F0] =	vst v0  }
0x82: {  	s19 =	simm.s32 $0x2;
	[tilespmem:$0x9F0] =	vst v63  }
0x83: {  	_ =	swait.ge [sflag:s19], $0x80  }
0x84: {  	[sflag:s19] =	ssyncset.done $0x0  }
0x85: {  	s20 =	simm.s32 $0x80;
	[sflag:s19] =	ssyncadd.s32 $0xFFFFFF80  }
0x86: {  	s21 =	simm.s32 $0x600;
	s22 =	simm.s32 $0x800;
	[bflag:$0x0] =	sbarrier.arrive $0xFFFF  }
0x87: {  	[spmem:s5] =	stream.indirect.scatter.add.f32 [tilespmem:s22], [sflag:$0x3], $0x1, s21, s20, $0xb8;
	[tilespmem:$0xE08] =	vst v63  }
0x88: {  	s23 =	simm.s32 $0x680;
	s24 =	simm.s32 $0x880  }
0x89: {  	[spmem:s5] =	stream.indirect.scatter.add.f32 [tilespmem:s24], [sflag:$0x3], $0x1, s23, s20, $0xb8;
	[tilespmem:$0xE08] =	vst v63  }
0x8a: {  	s25 =	simm.s32 $0x700;
	s26 =	simm.s32 $0x900  }
0x8b: {  	[spmem:s5] =	stream.indirect.scatter.add.f32 [tilespmem:s26], [sflag:$0x3], $0x1, s25, s20, $0xb8;
	[tilespmem:$0xE08] =	vst v63  }
0x8c: {  	s28 =	simm.s32 $0x780;
	s29 =	simm.s32 $0x980;
	s30 =	simm.s32 $0x3  }
0x8d: {  	[spmem:s5] =	stream.indirect.scatter.add.f32 [tilespmem:s29], [sflag:$0x3], $0x1, s28, s20, $0xb8;
	[tilespmem:$0xE08] =	vst v63  }
0x8e: {  	_ =	swait.ge [sflag:s30], $0x80  }
0x8f: {  	[sflag:s30] =	ssyncset.done $0x0  }
0x90: {  	[sflag:s30] =	ssyncadd.s32 $0xFFFFFF80  }
0x91: {  	_ =	swait.ge [sflag:s30], $0x80  }
0x92: {  	[sflag:s30] =	ssyncset.done $0x0  }
0x93: {  	[sflag:s30] =	ssyncadd.s32 $0xFFFFFF80  }
0x94: {  	_ =	swait.ge [sflag:s30], $0x80  }
0x95: {  	[sflag:s30] =	ssyncset.done $0x0  }
0x96: {  	[sflag:s30] =	ssyncadd.s32 $0xFFFFFF80  }
0x97: {  	_ =	swait.ge [sflag:s30], $0x80  }
0x98: {  	[sflag:s30] =	ssyncset.done $0x0  }
0x99: {  	s31 =	simm.s32 $0x4;
	s2 =	sadd.s32 s4, s2;
	[sflag:s30] =	ssyncadd.s32 $0xFFFFFF80  }
0x9a: {  	s3 =	sor.u32 $0x1C04, s3;
	s2 =	sadd.s32 $0x800, s2;
	[bflag:$0x0] =	sbarrier.arrive $0xFFFF  }
0x9b: {  	[hbm:s2], [sflag:s3] =	dma.local [spmem:s17], $0x80  }
0x9c: {  	_ =	swait.ge [sflag:s31], $0x80  }
0x9d: {  	[sflag:s31] =	ssyncset.done $0x0  }
0x9e: {  	[sflag:s31] =	ssyncadd.s32 $0xFFFFFF80  }
0x9f: {  	_ =	sfence.sel $0x180000  }
0xa0: {  	[bflag:$0x0] =	sbarrier.arrive $0xFFFF  }
0xa1: {  	p0 =	sne.s32 s1, $0x0;
	_ =	strace $0x90000047  }
0xa2: {  	s0 =	sadd.s32 @!p0 $0x100000, s0;
	[bflag:$0x2] =	sbarrier.arrive $0xFFFF  }
0xa3: {  	[sflag:s0] =	ssyncadd.tile.s32 @!p0 $0x1;
	_ =	shalt  }
.Lfunc_end2:
_tile_overlayer_lowered:
.L_overlay_start_2:
0xa4: {  	(tag) =	ssettag $0x2  }
0xa5: {  	s0 =	rddreg [dreg:$0x0];
	s2 =	stileid.u32  }
0xa6: {  	s1 =	rddreg [dreg:$0x1];
	p0 =	sne.s32 s2, $0x0  }
0xa7: {  	s3 =	rddreg [dreg:$0x2];
	[bflag:$0x3] =	sbarrier.arrive $0xFFFF;
	s2 =	simm.s32 @!p0 $0x1C04  }
0xa8: {  	[timem:s3], [sflag:s2] =	dma.local @!p0 [hbm:s0], s1  }
0xa9: {  	s0 =	simm.s32 @!p0 $0x4  }
0xaa: {  	_ =	swait.ge @!p0 [sflag:s0], s1  }
0xab: {  	s1 =	ssub.s32 @!p0 $0x0, s1;
	[sflag:s0] =	ssyncset.done @!p0 $0x0  }
0xac: {  	[sflag:s0] =	ssyncadd.s32 @!p0 s1  }
0xad: {  	[bflag:$0x3] =	sbarrier.arrive $0xFFFF  }
0xae: {  	_ =	shalt  }

</sc_bundles>
